<compile_context>
chip_gen: v7x
topology: tpu7x:2x2x1
jax: 0.10.2.dev20260603
libtpu: 0.0.44.dev20260713+nightly
codegen_flags: <defaults>
</compile_context>

<pallas_src>
import functools
import math

import jax
import jax.numpy as jnp
from jax import lax
from jax.experimental import pallas as pl
from jax.experimental.pallas import tpu as pltpu
from jax.experimental.pallas import tpu_sc as plsc

_N = 10000
_E = 320000
_D = 128
_ALPHA = 0.1
_THETA = 0.5

_NC = 2
_NS = 16
_NW = _NC * _NS
_EW = _E // _NW
_K = 125
_CH = _EW // _K
_CH2 = (_CH - 2) // 2
_RPT = 624
_RTAIL = _N - _NS * _RPT

_mesh = plsc.VectorSubcoreMesh(core_axis_name="c", subcore_axis_name="s")


@functools.partial(
    pl.kernel,
    out_type=jax.ShapeDtypeStruct((_NC, _N, _D), jnp.float32),
    mesh=_mesh,
    scratch_types=[
        pltpu.VMEM((2, _K), jnp.int32),
        pltpu.VMEM((2, _K), jnp.int32),
        pltpu.VMEM((_K, _D), jnp.float32),
        pltpu.VMEM((_K, _D), jnp.float32),
        pltpu.SemaphoreType.DMA,
        pltpu.SemaphoreType.DMA,
        pltpu.SemaphoreType.DMA,
        pltpu.SemaphoreType.DMA,
        pltpu.VMEM_SHARED((_N, _D), jnp.float32),
    ],
)
def _sc_scatter_add(h_hbm, ei_hbm, zeros_hbm, out_hbm,
                    ed_a, ed_b, rows_a, rows_b,
                    sem_ga, sem_gb, sem_sa, sem_sb, acc_sh):
    c = lax.axis_index("c")
    s = lax.axis_index("s")
    wid = s * _NC + c
    r0 = s * _RPT
    cb = wid * _CH

    def idx_copy(i, ev):
        pltpu.sync_copy(ei_hbm.at[cb + i], ev)

    def g_start(ev, rv, sem):
        pltpu.async_copy(h_hbm.at[ev.at[0]], rv, sem)

    def g_wait(ev, rv, sem):
        pltpu.make_async_copy(h_hbm.at[ev.at[0]], rv, sem).wait()

    def s_start(rv, ev, sem):
        pltpu.async_copy(rv, acc_sh.at[ev.at[1]], sem, add=True)

    def s_wait(rv, ev, sem):
        pltpu.make_async_copy(rv, acc_sh.at[ev.at[1]], sem).wait()

    idx_copy(0, ed_a)
    g_start(ed_a, rows_a, sem_ga)
    idx_copy(1, ed_b)
    g_start(ed_b, rows_b, sem_gb)

    pltpu.sync_copy(zeros_hbm.at[pl.ds(r0, _RPT)], acc_sh.at[pl.ds(r0, _RPT)])

    @pl.when(s == 0)
    def _():
        tb = _NS * _RPT
        pltpu.sync_copy(zeros_hbm.at[pl.ds(tb, _RTAIL)],
                        acc_sh.at[pl.ds(tb, _RTAIL)])

    plsc.subcore_barrier()

    g_wait(ed_a, rows_a, sem_ga)
    s_start(rows_a, ed_a, sem_sa)

    def body(j, carry):
        g_wait(ed_b, rows_b, sem_gb)
        s_start(rows_b, ed_b, sem_sb)
        s_wait(rows_a, ed_a, sem_sa)
        idx_copy(2 * j + 2, ed_a)
        g_start(ed_a, rows_a, sem_ga)
        g_wait(ed_a, rows_a, sem_ga)
        s_start(rows_a, ed_a, sem_sa)
        s_wait(rows_b, ed_b, sem_sb)
        idx_copy(2 * j + 3, ed_b)
        g_start(ed_b, rows_b, sem_gb)
        return carry

    lax.fori_loop(0, _CH2, body, 0)
    g_wait(ed_b, rows_b, sem_gb)
    s_start(rows_b, ed_b, sem_sb)
    s_wait(rows_a, ed_a, sem_sa)
    s_wait(rows_b, ed_b, sem_sb)

    plsc.subcore_barrier()
    pltpu.sync_copy(acc_sh.at[pl.ds(r0, _RPT)], out_hbm.at[c, pl.ds(r0, _RPT)])

    @pl.when(s == 0)
    def _():
        tb = _NS * _RPT
        pltpu.sync_copy(acc_sh.at[pl.ds(tb, _RTAIL)],
                        out_hbm.at[c, pl.ds(tb, _RTAIL)])



_BN = 1000
_G = _N // _BN


def _x0_body(x_ref, w_ref, b_ref, o_ref):
    o_ref[...] = jnp.maximum(
        jnp.dot(x_ref[...], w_ref[...], preferred_element_type=jnp.float32)
        + b_ref[...], 0.0)


_x0_call = pl.pallas_call(
    _x0_body,
    grid=(_G,),
    in_specs=[
        pl.BlockSpec((_BN, _D), lambda i: (i, 0)),
        pl.BlockSpec((_D, _D), lambda i: (0, 0)),
        pl.BlockSpec((1, _D), lambda i: (0, 0)),
    ],
    out_specs=pl.BlockSpec((_BN, _D), lambda i: (i, 0)),
    out_shape=jax.ShapeDtypeStruct((_N, _D), jnp.float32),
)


def _layer_body(beta, p_ref, x0_ref, w_ref, o_ref):
    t = (1.0 - _ALPHA) * (p_ref[0] + p_ref[1]) + _ALPHA * x0_ref[...]
    o_ref[...] = jnp.maximum(
        (1.0 - beta) * t
        + beta * jnp.dot(t, w_ref[...], preferred_element_type=jnp.float32),
        0.0)


_layer1_call = pl.pallas_call(
    functools.partial(_layer_body, math.log(_THETA / 1 + 1.0)),
    grid=(_G,),
    in_specs=[
        pl.BlockSpec((_NC, _BN, _D), lambda i: (0, i, 0)),
        pl.BlockSpec((_BN, _D), lambda i: (i, 0)),
        pl.BlockSpec((_D, _D), lambda i: (0, 0)),
    ],
    out_specs=pl.BlockSpec((_BN, _D), lambda i: (i, 0)),
    out_shape=jax.ShapeDtypeStruct((_N, _D), jnp.float32),
)


def _final_body(beta, p_ref, x0_ref, w1_ref, w2_ref, b2_ref, o_ref):
    t = (1.0 - _ALPHA) * (p_ref[0] + p_ref[1]) + _ALPHA * x0_ref[...]
    h = jnp.maximum(
        (1.0 - beta) * t
        + beta * jnp.dot(t, w1_ref[...], preferred_element_type=jnp.float32),
        0.0)
    z = jnp.dot(h, w2_ref[...], preferred_element_type=jnp.float32) + b2_ref[...]
    z = z - jnp.max(z, axis=-1, keepdims=True)
    o_ref[...] = z - jnp.log(jnp.sum(jnp.exp(z), axis=-1, keepdims=True))


_final_call = pl.pallas_call(
    functools.partial(_final_body, math.log(_THETA / 2 + 1.0)),
    grid=(_G,),
    in_specs=[
        pl.BlockSpec((_NC, _BN, _D), lambda i: (0, i, 0)),
        pl.BlockSpec((_BN, _D), lambda i: (i, 0)),
        pl.BlockSpec((_D, _D), lambda i: (0, 0)),
        pl.BlockSpec((_D, _D), lambda i: (0, 0)),
        pl.BlockSpec((1, _D), lambda i: (0, 0)),
    ],
    out_specs=pl.BlockSpec((_BN, _D), lambda i: (i, 0)),
    out_shape=jax.ShapeDtypeStruct((_N, _D), jnp.float32),
)


def kernel(x, edge_index, lin0_W, lin0_b, W1_l1, W1_l2, lin1_W, lin1_b):
    eic = edge_index.reshape(2, _NW * _CH, _K).transpose(1, 0, 2)
    zeros = jnp.zeros((_N, _D), jnp.float32)
    x0 = _x0_call(x, lin0_W.T, lin0_b.reshape(1, _D))
    p1 = _sc_scatter_add(x0, eic, zeros)
    h1 = _layer1_call(p1, x0, W1_l1)
    p2 = _sc_scatter_add(h1, eic, zeros)
    return _final_call(p2, x0, W1_l2, lin1_W.T, lin1_b.reshape(1, _D))

# --- scband reference (transcript-rebuilt; emitter-appended) ---
"""Pipeline reference for scband-gcn2-model-17635135718116 (READ-ONLY COPY).

The authoritative reference and input builder live on the scoring server;
editing this copy changes nothing except your own understanding.
"""

import jax, jax.numpy as jnp
import numpy as np

N = 10000
E = 320000
D_IN = 128
D_HID = 128
D_OUT = 128
ALPHA = 0.1
THETA = 0.5


def setup_inputs(seed: int = 0) -> dict:
    key = jax.random.key(seed)
    ks = jax.random.split(key, 8)
    x = jax.random.normal(ks[0], (N, D_IN), dtype=jnp.float32)
    edge_index = jax.random.randint(ks[1], (2, E), 0, N, dtype=jnp.int32)
    s0 = 1.0 / np.sqrt(D_IN)
    s1 = 1.0 / np.sqrt(D_HID)
    lin0_W = jax.random.uniform(ks[2], (D_HID, D_IN), minval=-s0, maxval=s0, dtype=jnp.float32)
    lin0_b = jax.random.uniform(ks[3], (D_HID,), minval=-s0, maxval=s0, dtype=jnp.float32)
    lin1_W = jax.random.uniform(ks[4], (D_OUT, D_HID), minval=-s1, maxval=s1, dtype=jnp.float32)
    lin1_b = jax.random.uniform(ks[5], (D_OUT,), minval=-s1, maxval=s1, dtype=jnp.float32)
    # GCN2Conv shared weight1 per layer (channels x channels, applied as t @ W1)
    W1_l1 = jax.random.normal(ks[6], (D_HID, D_HID), dtype=jnp.float32) * s1
    W1_l2 = jax.random.normal(ks[7], (D_HID, D_HID), dtype=jnp.float32) * s1
    return {"x": x, "edge_index": edge_index, "lin0_W": lin0_W, "lin0_b": lin0_b,
            "W1_l1": W1_l1, "W1_l2": W1_l2, "lin1_W": lin1_W, "lin1_b": lin1_b}


def reference(x, edge_index, lin0_W, lin0_b, W1_l1, W1_l2, lin1_W, lin1_b):
    # dropout p=0.0 -> identity
    src = edge_index[0]
    dst = edge_index[1]
    x0 = jax.nn.relu(x @ lin0_W.T + lin0_b)
    h = x0
    for layer, W1 in ((1, W1_l1), (2, W1_l2)):
        # GCN2Conv, normalize=False: propagate = adj_t @ h (sum aggregation, unit edge weights)
        agg = jnp.zeros((N, D_HID), dtype=h.dtype).at[dst].add(h[src])
        beta = jnp.log(THETA / layer + 1.0)
        t = (1.0 - ALPHA) * agg + ALPHA * x0
        # shared_weights=True: out = (1-beta)*t + beta*(t @ W1)
        h = (1.0 - beta) * t + beta * (t @ W1)
        h = jax.nn.relu(h)
    out = h @ lin1_W.T + lin1_b
    return jax.nn.log_softmax(out, axis=-1)

if __name__ == "__main__":
    import jax
    _d = setup_inputs()
    print(jax.jit(kernel)(*tuple(_d.values())))

</pallas_src>

<mosaic_0001>
#map = affine_map<(d0, d1) -> (0, 0)>
#map1 = affine_map<(d0, d1) -> (0, 0, 0)>
module attributes {stable_mosaic.version = 14 : i64} {
  func.func @_sc_scatter_add(%arg0: i32, %arg1: i32, %arg2: memref<10000x128xf32, #tpu.memory_space<hbm>>, %arg3: memref<2560x2x125xi32, #tpu.memory_space<hbm>>, %arg4: memref<10000x128xf32, #tpu.memory_space<hbm>>, %arg5: memref<2x10000x128xf32, #tpu.memory_space<hbm>>, %arg6: memref<2x125xi32, #tpu.memory_space<vmem>>, %arg7: memref<2x125xi32, #tpu.memory_space<vmem>>, %arg8: memref<125x128xf32, #tpu.memory_space<vmem>>, %arg9: memref<125x128xf32, #tpu.memory_space<vmem>>, %arg10: memref<!tpu.dma_semaphore, #tpu.memory_space<semaphore_mem>>, %arg11: memref<!tpu.dma_semaphore, #tpu.memory_space<semaphore_mem>>, %arg12: memref<!tpu.dma_semaphore, #tpu.memory_space<semaphore_mem>>, %arg13: memref<!tpu.dma_semaphore, #tpu.memory_space<semaphore_mem>>, %arg14: memref<10000x128xf32, #tpu.memory_space<vmem_shared>>) attributes {dimension_semantics = [#tpu.dimension_semantics<core_parallel>, #tpu.dimension_semantics<subcore_parallel>], iteration_bounds = array<i64: 2, 16>, scalar_prefetch = 0 : i64, scratch_operands = 9 : i64, tpu.core_type = #tpu.core_type<sc_vector_subcore>, window_params = [{transform_indices = #map}, {transform_indices = #map1}, {transform_indices = #map}, {transform_indices = #map1}]} {
    %mul3A = arith.constant 2 : i32
    %mul3A_0 = arith.muli %arg1, %mul3A : i32
    %add3A = arith.addi %mul3A_0, %arg0 : i32
    %mul3A_1 = arith.constant 624 : i32
    %mul3A_2 = arith.muli %arg1, %mul3A_1 : i32
    %mul3A_3 = arith.constant 80 : i32
    %mul3A_4 = arith.muli %add3A, %mul3A_3 : i32
    %add3A_5 = arith.constant 0 : i32
    %add3A_6 = arith.addi %mul3A_4, %add3A_5 : i32
    "tpu.region"() ({
      %run_scoped3A = tpu.sem_alloc : memref<!tpu.dma_semaphore, #tpu.memory_space<semaphore_mem>>
      %dma_start3A_76 = arith.constant 0 : i32
      %dma_start3A_77 = arith.constant 0 : i32
      %dma_start3A_78 = tpu.memref_slice %arg3[%add3A_6, %dma_start3A_76, %dma_start3A_77] : memref<2560x2x125xi32, #tpu.memory_space<hbm>> -> memref<1x2x125xi32, #tpu.memory_space<hbm>>
      %dma_start3A_79 = tpu.memref_squeeze %dma_start3A_78 : memref<1x2x125xi32, #tpu.memory_space<hbm>> -> memref<2x125xi32, #tpu.memory_space<hbm>>
      %dma_start3A_80 = arith.constant 0 : i32
      %dma_start3A_81 = arith.constant 0 : i32
      %dma_start3A_82 = tpu.memref_slice %arg3[%add3A_6, %dma_start3A_80, %dma_start3A_81] : memref<2560x2x125xi32, #tpu.memory_space<hbm>> -> memref<1x2x125xi32, #tpu.memory_space<hbm>>
      %dma_start3A_83 = tpu.memref_squeeze %dma_start3A_82 : memref<1x2x125xi32, #tpu.memory_space<hbm>> -> memref<2x125xi32, #tpu.memory_space<hbm>>
      tpu.enqueue_dma source(%dma_start3A_83 : memref<2x125xi32, #tpu.memory_space<hbm>>) target(%arg6 : memref<2x125xi32, #tpu.memory_space<vmem>>) target_semaphore(%run_scoped3A : memref<!tpu.dma_semaphore, #tpu.memory_space<semaphore_mem>>)
      %dma_wait3A_84 = arith.constant 0 : i32
      %dma_wait3A_85 = arith.constant 0 : i32
      %dma_wait3A_86 = tpu.memref_slice %arg3[%add3A_6, %dma_wait3A_84, %dma_wait3A_85] : memref<2560x2x125xi32, #tpu.memory_space<hbm>> -> memref<1x2x125xi32, #tpu.memory_space<hbm>>
      %dma_wait3A_87 = tpu.memref_squeeze %dma_wait3A_86 : memref<1x2x125xi32, #tpu.memory_space<hbm>> -> memref<2x125xi32, #tpu.memory_space<hbm>>
      %dma_wait3A_88 = arith.constant 0 : i32
      %dma_wait3A_89 = arith.constant 0 : i32
      %dma_wait3A_90 = tpu.memref_slice %arg3[%add3A_6, %dma_wait3A_88, %dma_wait3A_89] : memref<2560x2x125xi32, #tpu.memory_space<hbm>> -> memref<1x2x125xi32, #tpu.memory_space<hbm>>
      %dma_wait3A_91 = tpu.memref_squeeze %dma_wait3A_90 : memref<1x2x125xi32, #tpu.memory_space<hbm>> -> memref<2x125xi32, #tpu.memory_space<hbm>>
      tpu.wait_dma2 semaphore(%run_scoped3A : memref<!tpu.dma_semaphore, #tpu.memory_space<semaphore_mem>>) src(%dma_wait3A_91 : memref<2x125xi32, #tpu.memory_space<hbm>>) dst(%arg6 : memref<2x125xi32, #tpu.memory_space<vmem>>)
      tpu.yield
    }) : () -> ()
    %dma_start3A = arith.constant 0 : i32
    %dma_start3A_7 = arith.constant 0 : i32
    %dma_start3A_8 = tpu.memref_slice %arg6[%dma_start3A, %dma_start3A_7] : memref<2x125xi32, #tpu.memory_space<vmem>> -> memref<1x125xi32, #tpu.memory_space<vmem>>
    %dma_start3A_9 = tpu.memref_squeeze %dma_start3A_8 : memref<1x125xi32, #tpu.memory_space<vmem>> -> memref<125xi32, #tpu.memory_space<vmem>>
    %dma_start3A_10 = arith.constant 0 : i32
    %dma_start3A_11 = arith.constant 0 : i32
    %dma_start3A_12 = tpu.memref_slice %arg2[%dma_start3A_10, %dma_start3A_11] : memref<10000x128xf32, #tpu.memory_space<hbm>> -> memref<10000x128xf32, #tpu.memory_space<hbm>>
    tpu.enqueue_indirect_dma source(%dma_start3A_12 : memref<10000x128xf32, #tpu.memory_space<hbm>>) target(%arg8 : memref<125x128xf32, #tpu.memory_space<vmem>>) offsets(%dma_start3A_9 : memref<125xi32, #tpu.memory_space<vmem>>) semaphore(%arg10 : memref<!tpu.dma_semaphore, #tpu.memory_space<semaphore_mem>>)
    %add3A_13 = arith.constant 1 : i32
    %add3A_14 = arith.addi %mul3A_4, %add3A_13 : i32
    "tpu.region"() ({
      %run_scoped3A = tpu.sem_alloc : memref<!tpu.dma_semaphore, #tpu.memory_space<semaphore_mem>>
      %dma_start3A_76 = arith.constant 0 : i32
      %dma_start3A_77 = arith.constant 0 : i32
      %dma_start3A_78 = tpu.memref_slice %arg3[%add3A_14, %dma_start3A_76, %dma_start3A_77] : memref<2560x2x125xi32, #tpu.memory_space<hbm>> -> memref<1x2x125xi32, #tpu.memory_space<hbm>>
      %dma_start3A_79 = tpu.memref_squeeze %dma_start3A_78 : memref<1x2x125xi32, #tpu.memory_space<hbm>> -> memref<2x125xi32, #tpu.memory_space<hbm>>
      %dma_start3A_80 = arith.constant 0 : i32
      %dma_start3A_81 = arith.constant 0 : i32
      %dma_start3A_82 = tpu.memref_slice %arg3[%add3A_14, %dma_start3A_80, %dma_start3A_81] : memref<2560x2x125xi32, #tpu.memory_space<hbm>> -> memref<1x2x125xi32, #tpu.memory_space<hbm>>
      %dma_start3A_83 = tpu.memref_squeeze %dma_start3A_82 : memref<1x2x125xi32, #tpu.memory_space<hbm>> -> memref<2x125xi32, #tpu.memory_space<hbm>>
      tpu.enqueue_dma source(%dma_start3A_83 : memref<2x125xi32, #tpu.memory_space<hbm>>) target(%arg7 : memref<2x125xi32, #tpu.memory_space<vmem>>) target_semaphore(%run_scoped3A : memref<!tpu.dma_semaphore, #tpu.memory_space<semaphore_mem>>)
      %dma_wait3A_84 = arith.constant 0 : i32
      %dma_wait3A_85 = arith.constant 0 : i32
      %dma_wait3A_86 = tpu.memref_slice %arg3[%add3A_14, %dma_wait3A_84, %dma_wait3A_85] : memref<2560x2x125xi32, #tpu.memory_space<hbm>> -> memref<1x2x125xi32, #tpu.memory_space<hbm>>
      %dma_wait3A_87 = tpu.memref_squeeze %dma_wait3A_86 : memref<1x2x125xi32, #tpu.memory_space<hbm>> -> memref<2x125xi32, #tpu.memory_space<hbm>>
      %dma_wait3A_88 = arith.constant 0 : i32
      %dma_wait3A_89 = arith.constant 0 : i32
      %dma_wait3A_90 = tpu.memref_slice %arg3[%add3A_14, %dma_wait3A_88, %dma_wait3A_89] : memref<2560x2x125xi32, #tpu.memory_space<hbm>> -> memref<1x2x125xi32, #tpu.memory_space<hbm>>
      %dma_wait3A_91 = tpu.memref_squeeze %dma_wait3A_90 : memref<1x2x125xi32, #tpu.memory_space<hbm>> -> memref<2x125xi32, #tpu.memory_space<hbm>>
      tpu.wait_dma2 semaphore(%run_scoped3A : memref<!tpu.dma_semaphore, #tpu.memory_space<semaphore_mem>>) src(%dma_wait3A_91 : memref<2x125xi32, #tpu.memory_space<hbm>>) dst(%arg7 : memref<2x125xi32, #tpu.memory_space<vmem>>)
      tpu.yield
    }) : () -> ()
    %dma_start3A_15 = arith.constant 0 : i32
    %dma_start3A_16 = arith.constant 0 : i32
    %dma_start3A_17 = tpu.memref_slice %arg7[%dma_start3A_15, %dma_start3A_16] : memref<2x125xi32, #tpu.memory_space<vmem>> -> memref<1x125xi32, #tpu.memory_space<vmem>>
    %dma_start3A_18 = tpu.memref_squeeze %dma_start3A_17 : memref<1x125xi32, #tpu.memory_space<vmem>> -> memref<125xi32, #tpu.memory_space<vmem>>
    %dma_start3A_19 = arith.constant 0 : i32
    %dma_start3A_20 = arith.constant 0 : i32
    %dma_start3A_21 = tpu.memref_slice %arg2[%dma_start3A_19, %dma_start3A_20] : memref<10000x128xf32, #tpu.memory_space<hbm>> -> memref<10000x128xf32, #tpu.memory_space<hbm>>
    tpu.enqueue_indirect_dma source(%dma_start3A_21 : memref<10000x128xf32, #tpu.memory_space<hbm>>) target(%arg9 : memref<125x128xf32, #tpu.memory_space<vmem>>) offsets(%dma_start3A_18 : memref<125xi32, #tpu.memory_space<vmem>>) semaphore(%arg11 : memref<!tpu.dma_semaphore, #tpu.memory_space<semaphore_mem>>)
    "tpu.region"() ({
      %run_scoped3A = tpu.sem_alloc : memref<!tpu.dma_semaphore, #tpu.memory_space<semaphore_mem>>
      %dma_start3A_76 = arith.constant 0 : i32
      %dma_start3A_77 = tpu.memref_slice %arg14[%mul3A_2, %dma_start3A_76] : memref<10000x128xf32, #tpu.memory_space<vmem_shared>> -> memref<624x128xf32, #tpu.memory_space<vmem_shared>>
      %dma_start3A_78 = arith.constant 0 : i32
      %dma_start3A_79 = tpu.memref_slice %arg4[%mul3A_2, %dma_start3A_78] : memref<10000x128xf32, #tpu.memory_space<hbm>> -> memref<624x128xf32, #tpu.memory_space<hbm>>
      tpu.enqueue_dma source(%dma_start3A_79 : memref<624x128xf32, #tpu.memory_space<hbm>>) target(%dma_start3A_77 : memref<624x128xf32, #tpu.memory_space<vmem_shared>>) target_semaphore(%run_scoped3A : memref<!tpu.dma_semaphore, #tpu.memory_space<semaphore_mem>>)
      %dma_wait3A_80 = arith.constant 0 : i32
      %dma_wait3A_81 = tpu.memref_slice %arg14[%mul3A_2, %dma_wait3A_80] : memref<10000x128xf32, #tpu.memory_space<vmem_shared>> -> memref<624x128xf32, #tpu.memory_space<vmem_shared>>
      %dma_wait3A_82 = arith.constant 0 : i32
      %dma_wait3A_83 = tpu.memref_slice %arg4[%mul3A_2, %dma_wait3A_82] : memref<10000x128xf32, #tpu.memory_space<hbm>> -> memref<624x128xf32, #tpu.memory_space<hbm>>
      tpu.wait_dma2 semaphore(%run_scoped3A : memref<!tpu.dma_semaphore, #tpu.memory_space<semaphore_mem>>) src(%dma_wait3A_83 : memref<624x128xf32, #tpu.memory_space<hbm>>) dst(%dma_wait3A_81 : memref<624x128xf32, #tpu.memory_space<vmem_shared>>)
      tpu.yield
    }) : () -> ()
    %eq3A = arith.constant 0 : i32
    %eq3A_22 = arith.cmpi eq, %arg1, %eq3A : i32
    %convert_element_type3A = arith.extui %eq3A_22 : i1 to i32
    %cond3A = arith.constant 0 : i32
    %cond3A_23 = arith.cmpi ne, %convert_element_type3A, %cond3A : i32
    scf.if %cond3A_23 {
      "tpu.region"() ({
        %run_scoped3A = tpu.sem_alloc : memref<!tpu.dma_semaphore, #tpu.memory_space<semaphore_mem>>
        %dma_start3A_76 = arith.constant 9984 : i32
        %dma_start3A_77 = arith.constant 0 : i32
        %dma_start3A_78 = tpu.memref_slice %arg14[%dma_start3A_76, %dma_start3A_77] : memref<10000x128xf32, #tpu.memory_space<vmem_shared>> -> memref<16x128xf32, #tpu.memory_space<vmem_shared>>
        %dma_start3A_79 = arith.constant 9984 : i32
        %dma_start3A_80 = arith.constant 0 : i32
        %dma_start3A_81 = tpu.memref_slice %arg4[%dma_start3A_79, %dma_start3A_80] : memref<10000x128xf32, #tpu.memory_space<hbm>> -> memref<16x128xf32, #tpu.memory_space<hbm>>
        tpu.enqueue_dma source(%dma_start3A_81 : memref<16x128xf32, #tpu.memory_space<hbm>>) target(%dma_start3A_78 : memref<16x128xf32, #tpu.memory_space<vmem_shared>>) target_semaphore(%run_scoped3A : memref<!tpu.dma_semaphore, #tpu.memory_space<semaphore_mem>>)
        %dma_wait3A_82 = arith.constant 9984 : i32
        %dma_wait3A_83 = arith.constant 0 : i32
        %dma_wait3A_84 = tpu.memref_slice %arg14[%dma_wait3A_82, %dma_wait3A_83] : memref<10000x128xf32, #tpu.memory_space<vmem_shared>> -> memref<16x128xf32, #tpu.memory_space<vmem_shared>>
        %dma_wait3A_85 = arith.constant 9984 : i32
        %dma_wait3A_86 = arith.constant 0 : i32
        %dma_wait3A_87 = tpu.memref_slice %arg4[%dma_wait3A_85, %dma_wait3A_86] : memref<10000x128xf32, #tpu.memory_space<hbm>> -> memref<16x128xf32, #tpu.memory_space<hbm>>
        tpu.wait_dma2 semaphore(%run_scoped3A : memref<!tpu.dma_semaphore, #tpu.memory_space<semaphore_mem>>) src(%dma_wait3A_87 : memref<16x128xf32, #tpu.memory_space<hbm>>) dst(%dma_wait3A_84 : memref<16x128xf32, #tpu.memory_space<vmem_shared>>)
        tpu.yield
      }) : () -> ()
    } else {
    }
    %barrier3A = arith.constant 0 : index
    tpu.barrier barrier_id(%barrier3A)
    %dma_wait3A = arith.constant 0 : i32
    %dma_wait3A_24 = arith.constant 0 : i32
    %dma_wait3A_25 = tpu.memref_slice %arg6[%dma_wait3A, %dma_wait3A_24] : memref<2x125xi32, #tpu.memory_space<vmem>> -> memref<1x125xi32, #tpu.memory_space<vmem>>
    %dma_wait3A_26 = tpu.memref_squeeze %dma_wait3A_25 : memref<1x125xi32, #tpu.memory_space<vmem>> -> memref<125xi32, #tpu.memory_space<vmem>>
    %dma_wait3A_27 = arith.constant 0 : i32
    %dma_wait3A_28 = arith.constant 0 : i32
    %dma_wait3A_29 = tpu.memref_slice %arg2[%dma_wait3A_27, %dma_wait3A_28] : memref<10000x128xf32, #tpu.memory_space<hbm>> -> memref<10000x128xf32, #tpu.memory_space<hbm>>
    tpu.wait_indirect_dma semaphore(%arg10 : memref<!tpu.dma_semaphore, #tpu.memory_space<semaphore_mem>>) src(%dma_wait3A_29 : memref<10000x128xf32, #tpu.memory_space<hbm>>) dst(%arg8 : memref<125x128xf32, #tpu.memory_space<vmem>>)
    %dma_start3A_30 = arith.constant 1 : i32
    %dma_start3A_31 = arith.constant 0 : i32
    %dma_start3A_32 = tpu.memref_slice %arg6[%dma_start3A_30, %dma_start3A_31] : memref<2x125xi32, #tpu.memory_space<vmem>> -> memref<1x125xi32, #tpu.memory_space<vmem>>
    %dma_start3A_33 = tpu.memref_squeeze %dma_start3A_32 : memref<1x125xi32, #tpu.memory_space<vmem>> -> memref<125xi32, #tpu.memory_space<vmem>>
    %dma_start3A_34 = arith.constant 0 : i32
    %dma_start3A_35 = arith.constant 0 : i32
    %dma_start3A_36 = tpu.memref_slice %arg14[%dma_start3A_34, %dma_start3A_35] : memref<10000x128xf32, #tpu.memory_space<vmem_shared>> -> memref<10000x128xf32, #tpu.memory_space<vmem_shared>>
    tpu.enqueue_indirect_dma source(%arg8 : memref<125x128xf32, #tpu.memory_space<vmem>>) target(%dma_start3A_36 : memref<10000x128xf32, #tpu.memory_space<vmem_shared>>) offsets(%dma_start3A_33 : memref<125xi32, #tpu.memory_space<vmem>>) semaphore(%arg12 : memref<!tpu.dma_semaphore, #tpu.memory_space<semaphore_mem>>) {add = true}
    %scan3A = arith.constant 0 : i32
    %scan3A_37 = arith.constant 0 : i32
    %scan3A_38 = arith.constant 39 : i32
    %scan3A_39 = arith.addi %scan3A_37, %scan3A_38 : i32
    %scan3A_40 = arith.constant 1 : i32
    scf.for %scan3A_76 = %scan3A_37 to %scan3A_39 step %scan3A_40  : i32 {
      %dma_wait3A_77 = arith.constant 0 : i32
      %dma_wait3A_78 = arith.constant 0 : i32
      %dma_wait3A_79 = tpu.memref_slice %arg7[%dma_wait3A_77, %dma_wait3A_78] : memref<2x125xi32, #tpu.memory_space<vmem>> -> memref<1x125xi32, #tpu.memory_space<vmem>>
      %dma_wait3A_80 = tpu.memref_squeeze %dma_wait3A_79 : memref<1x125xi32, #tpu.memory_space<vmem>> -> memref<125xi32, #tpu.memory_space<vmem>>
      %dma_wait3A_81 = arith.constant 0 : i32
      %dma_wait3A_82 = arith.constant 0 : i32
      %dma_wait3A_83 = tpu.memref_slice %arg2[%dma_wait3A_81, %dma_wait3A_82] : memref<10000x128xf32, #tpu.memory_space<hbm>> -> memref<10000x128xf32, #tpu.memory_space<hbm>>
      tpu.wait_indirect_dma semaphore(%arg11 : memref<!tpu.dma_semaphore, #tpu.memory_space<semaphore_mem>>) src(%dma_wait3A_83 : memref<10000x128xf32, #tpu.memory_space<hbm>>) dst(%arg9 : memref<125x128xf32, #tpu.memory_space<vmem>>)
      %dma_start3A_84 = arith.constant 1 : i32
      %dma_start3A_85 = arith.constant 0 : i32
      %dma_start3A_86 = tpu.memref_slice %arg7[%dma_start3A_84, %dma_start3A_85] : memref<2x125xi32, #tpu.memory_space<vmem>> -> memref<1x125xi32, #tpu.memory_space<vmem>>
      %dma_start3A_87 = tpu.memref_squeeze %dma_start3A_86 : memref<1x125xi32, #tpu.memory_space<vmem>> -> memref<125xi32, #tpu.memory_space<vmem>>
      %dma_start3A_88 = arith.constant 0 : i32
      %dma_start3A_89 = arith.constant 0 : i32
      %dma_start3A_90 = tpu.memref_slice %arg14[%dma_start3A_88, %dma_start3A_89] : memref<10000x128xf32, #tpu.memory_space<vmem_shared>> -> memref<10000x128xf32, #tpu.memory_space<vmem_shared>>
      tpu.enqueue_indirect_dma source(%arg9 : memref<125x128xf32, #tpu.memory_space<vmem>>) target(%dma_start3A_90 : memref<10000x128xf32, #tpu.memory_space<vmem_shared>>) offsets(%dma_start3A_87 : memref<125xi32, #tpu.memory_space<vmem>>) semaphore(%arg13 : memref<!tpu.dma_semaphore, #tpu.memory_space<semaphore_mem>>) {add = true}
      %dma_wait3A_91 = arith.constant 1 : i32
      %dma_wait3A_92 = arith.constant 0 : i32
      %dma_wait3A_93 = tpu.memref_slice %arg6[%dma_wait3A_91, %dma_wait3A_92] : memref<2x125xi32, #tpu.memory_space<vmem>> -> memref<1x125xi32, #tpu.memory_space<vmem>>
      %dma_wait3A_94 = tpu.memref_squeeze %dma_wait3A_93 : memref<1x125xi32, #tpu.memory_space<vmem>> -> memref<125xi32, #tpu.memory_space<vmem>>
      %dma_wait3A_95 = arith.constant 0 : i32
      %dma_wait3A_96 = arith.constant 0 : i32
      %dma_wait3A_97 = tpu.memref_slice %arg14[%dma_wait3A_95, %dma_wait3A_96] : memref<10000x128xf32, #tpu.memory_space<vmem_shared>> -> memref<10000x128xf32, #tpu.memory_space<vmem_shared>>
      tpu.wait_indirect_dma semaphore(%arg12 : memref<!tpu.dma_semaphore, #tpu.memory_space<semaphore_mem>>) src(%arg8 : memref<125x128xf32, #tpu.memory_space<vmem>>) dst(%dma_wait3A_97 : memref<10000x128xf32, #tpu.memory_space<vmem_shared>>)
      %mul3A_98 = arith.constant 2 : i32
      %mul3A_99 = arith.muli %mul3A_98, %scan3A_76 : i32
      %add3A_100 = arith.constant 2 : i32
      %add3A_101 = arith.addi %mul3A_99, %add3A_100 : i32
      %add3A_102 = arith.addi %mul3A_4, %add3A_101 : i32
      "tpu.region"() ({
        %run_scoped3A = tpu.sem_alloc : memref<!tpu.dma_semaphore, #tpu.memory_space<semaphore_mem>>
        %dma_start3A_143 = arith.constant 0 : i32
        %dma_start3A_144 = arith.constant 0 : i32
        %dma_start3A_145 = tpu.memref_slice %arg3[%add3A_102, %dma_start3A_143, %dma_start3A_144] : memref<2560x2x125xi32, #tpu.memory_space<hbm>> -> memref<1x2x125xi32, #tpu.memory_space<hbm>>
        %dma_start3A_146 = tpu.memref_squeeze %dma_start3A_145 : memref<1x2x125xi32, #tpu.memory_space<hbm>> -> memref<2x125xi32, #tpu.memory_space<hbm>>
        %dma_start3A_147 = arith.constant 0 : i32
        %dma_start3A_148 = arith.constant 0 : i32
        %dma_start3A_149 = tpu.memref_slice %arg3[%add3A_102, %dma_start3A_147, %dma_start3A_148] : memref<2560x2x125xi32, #tpu.memory_space<hbm>> -> memref<1x2x125xi32, #tpu.memory_space<hbm>>
        %dma_start3A_150 = tpu.memref_squeeze %dma_start3A_149 : memref<1x2x125xi32, #tpu.memory_space<hbm>> -> memref<2x125xi32, #tpu.memory_space<hbm>>
        tpu.enqueue_dma source(%dma_start3A_150 : memref<2x125xi32, #tpu.memory_space<hbm>>) target(%arg6 : memref<2x125xi32, #tpu.memory_space<vmem>>) target_semaphore(%run_scoped3A : memref<!tpu.dma_semaphore, #tpu.memory_space<semaphore_mem>>)
        %dma_wait3A_151 = arith.constant 0 : i32
        %dma_wait3A_152 = arith.constant 0 : i32
        %dma_wait3A_153 = tpu.memref_slice %arg3[%add3A_102, %dma_wait3A_151, %dma_wait3A_152] : memref<2560x2x125xi32, #tpu.memory_space<hbm>> -> memref<1x2x125xi32, #tpu.memory_space<hbm>>
        %dma_wait3A_154 = tpu.memref_squeeze %dma_wait3A_153 : memref<1x2x125xi32, #tpu.memory_space<hbm>> -> memref<2x125xi32, #tpu.memory_space<hbm>>
        %dma_wait3A_155 = arith.constant 0 : i32
        %dma_wait3A_156 = arith.constant 0 : i32
        %dma_wait3A_157 = tpu.memref_slice %arg3[%add3A_102, %dma_wait3A_155, %dma_wait3A_156] : memref<2560x2x125xi32, #tpu.memory_space<hbm>> -> memref<1x2x125xi32, #tpu.memory_space<hbm>>
        %dma_wait3A_158 = tpu.memref_squeeze %dma_wait3A_157 : memref<1x2x125xi32, #tpu.memory_space<hbm>> -> memref<2x125xi32, #tpu.memory_space<hbm>>
        tpu.wait_dma2 semaphore(%run_scoped3A : memref<!tpu.dma_semaphore, #tpu.memory_space<semaphore_mem>>) src(%dma_wait3A_158 : memref<2x125xi32, #tpu.memory_space<hbm>>) dst(%arg6 : memref<2x125xi32, #tpu.memory_space<vmem>>)
        tpu.yield
      }) : () -> ()
      %dma_start3A_103 = arith.constant 0 : i32
      %dma_start3A_104 = arith.constant 0 : i32
      %dma_start3A_105 = tpu.memref_slice %arg6[%dma_start3A_103, %dma_start3A_104] : memref<2x125xi32, #tpu.memory_space<vmem>> -> memref<1x125xi32, #tpu.memory_space<vmem>>
      %dma_start3A_106 = tpu.memref_squeeze %dma_start3A_105 : memref<1x125xi32, #tpu.memory_space<vmem>> -> memref<125xi32, #tpu.memory_space<vmem>>
      %dma_start3A_107 = arith.constant 0 : i32
      %dma_start3A_108 = arith.constant 0 : i32
      %dma_start3A_109 = tpu.memref_slice %arg2[%dma_start3A_107, %dma_start3A_108] : memref<10000x128xf32, #tpu.memory_space<hbm>> -> memref<10000x128xf32, #tpu.memory_space<hbm>>
      tpu.enqueue_indirect_dma source(%dma_start3A_109 : memref<10000x128xf32, #tpu.memory_space<hbm>>) target(%arg8 : memref<125x128xf32, #tpu.memory_space<vmem>>) offsets(%dma_start3A_106 : memref<125xi32, #tpu.memory_space<vmem>>) semaphore(%arg10 : memref<!tpu.dma_semaphore, #tpu.memory_space<semaphore_mem>>)
      %dma_wait3A_110 = arith.constant 0 : i32
      %dma_wait3A_111 = arith.constant 0 : i32
      %dma_wait3A_112 = tpu.memref_slice %arg6[%dma_wait3A_110, %dma_wait3A_111] : memref<2x125xi32, #tpu.memory_space<vmem>> -> memref<1x125xi32, #tpu.memory_space<vmem>>
      %dma_wait3A_113 = tpu.memref_squeeze %dma_wait3A_112 : memref<1x125xi32, #tpu.memory_space<vmem>> -> memref<125xi32, #tpu.memory_space<vmem>>
      %dma_wait3A_114 = arith.constant 0 : i32
      %dma_wait3A_115 = arith.constant 0 : i32
      %dma_wait3A_116 = tpu.memref_slice %arg2[%dma_wait3A_114, %dma_wait3A_115] : memref<10000x128xf32, #tpu.memory_space<hbm>> -> memref<10000x128xf32, #tpu.memory_space<hbm>>
      tpu.wait_indirect_dma semaphore(%arg10 : memref<!tpu.dma_semaphore, #tpu.memory_space<semaphore_mem>>) src(%dma_wait3A_116 : memref<10000x128xf32, #tpu.memory_space<hbm>>) dst(%arg8 : memref<125x128xf32, #tpu.memory_space<vmem>>)
      %dma_start3A_117 = arith.constant 1 : i32
      %dma_start3A_118 = arith.constant 0 : i32
      %dma_start3A_119 = tpu.memref_slice %arg6[%dma_start3A_117, %dma_start3A_118] : memref<2x125xi32, #tpu.memory_space<vmem>> -> memref<1x125xi32, #tpu.memory_space<vmem>>
      %dma_start3A_120 = tpu.memref_squeeze %dma_start3A_119 : memref<1x125xi32, #tpu.memory_space<vmem>> -> memref<125xi32, #tpu.memory_space<vmem>>
      %dma_start3A_121 = arith.constant 0 : i32
      %dma_start3A_122 = arith.constant 0 : i32
      %dma_start3A_123 = tpu.memref_slice %arg14[%dma_start3A_121, %dma_start3A_122] : memref<10000x128xf32, #tpu.memory_space<vmem_shared>> -> memref<10000x128xf32, #tpu.memory_space<vmem_shared>>
      tpu.enqueue_indirect_dma source(%arg8 : memref<125x128xf32, #tpu.memory_space<vmem>>) target(%dma_start3A_123 : memref<10000x128xf32, #tpu.memory_space<vmem_shared>>) offsets(%dma_start3A_120 : memref<125xi32, #tpu.memory_space<vmem>>) semaphore(%arg12 : memref<!tpu.dma_semaphore, #tpu.memory_space<semaphore_mem>>) {add = true}
      %dma_wait3A_124 = arith.constant 1 : i32
      %dma_wait3A_125 = arith.constant 0 : i32
      %dma_wait3A_126 = tpu.memref_slice %arg7[%dma_wait3A_124, %dma_wait3A_125] : memref<2x125xi32, #tpu.memory_space<vmem>> -> memref<1x125xi32, #tpu.memory_space<vmem>>
      %dma_wait3A_127 = tpu.memref_squeeze %dma_wait3A_126 : memref<1x125xi32, #tpu.memory_space<vmem>> -> memref<125xi32, #tpu.memory_space<vmem>>
      %dma_wait3A_128 = arith.constant 0 : i32
      %dma_wait3A_129 = arith.constant 0 : i32
      %dma_wait3A_130 = tpu.memref_slice %arg14[%dma_wait3A_128, %dma_wait3A_129] : memref<10000x128xf32, #tpu.memory_space<vmem_shared>> -> memref<10000x128xf32, #tpu.memory_space<vmem_shared>>
      tpu.wait_indirect_dma semaphore(%arg13 : memref<!tpu.dma_semaphore, #tpu.memory_space<semaphore_mem>>) src(%arg9 : memref<125x128xf32, #tpu.memory_space<vmem>>) dst(%dma_wait3A_130 : memref<10000x128xf32, #tpu.memory_space<vmem_shared>>)
      %mul3A_131 = arith.constant 2 : i32
      %mul3A_132 = arith.muli %mul3A_131, %scan3A_76 : i32
      %add3A_133 = arith.constant 3 : i32
      %add3A_134 = arith.addi %mul3A_132, %add3A_133 : i32
      %add3A_135 = arith.addi %mul3A_4, %add3A_134 : i32
      "tpu.region"() ({
        %run_scoped3A = tpu.sem_alloc : memref<!tpu.dma_semaphore, #tpu.memory_space<semaphore_mem>>
        %dma_start3A_143 = arith.constant 0 : i32
        %dma_start3A_144 = arith.constant 0 : i32
        %dma_start3A_145 = tpu.memref_slice %arg3[%add3A_135, %dma_start3A_143, %dma_start3A_144] : memref<2560x2x125xi32, #tpu.memory_space<hbm>> -> memref<1x2x125xi32, #tpu.memory_space<hbm>>
        %dma_start3A_146 = tpu.memref_squeeze %dma_start3A_145 : memref<1x2x125xi32, #tpu.memory_space<hbm>> -> memref<2x125xi32, #tpu.memory_space<hbm>>
        %dma_start3A_147 = arith.constant 0 : i32
        %dma_start3A_148 = arith.constant 0 : i32
        %dma_start3A_149 = tpu.memref_slice %arg3[%add3A_135, %dma_start3A_147, %dma_start3A_148] : memref<2560x2x125xi32, #tpu.memory_space<hbm>> -> memref<1x2x125xi32, #tpu.memory_space<hbm>>
        %dma_start3A_150 = tpu.memref_squeeze %dma_start3A_149 : memref<1x2x125xi32, #tpu.memory_space<hbm>> -> memref<2x125xi32, #tpu.memory_space<hbm>>
        tpu.enqueue_dma source(%dma_start3A_150 : memref<2x125xi32, #tpu.memory_space<hbm>>) target(%arg7 : memref<2x125xi32, #tpu.memory_space<vmem>>) target_semaphore(%run_scoped3A : memref<!tpu.dma_semaphore, #tpu.memory_space<semaphore_mem>>)
        %dma_wait3A_151 = arith.constant 0 : i32
        %dma_wait3A_152 = arith.constant 0 : i32
        %dma_wait3A_153 = tpu.memref_slice %arg3[%add3A_135, %dma_wait3A_151, %dma_wait3A_152] : memref<2560x2x125xi32, #tpu.memory_space<hbm>> -> memref<1x2x125xi32, #tpu.memory_space<hbm>>
        %dma_wait3A_154 = tpu.memref_squeeze %dma_wait3A_153 : memref<1x2x125xi32, #tpu.memory_space<hbm>> -> memref<2x125xi32, #tpu.memory_space<hbm>>
        %dma_wait3A_155 = arith.constant 0 : i32
        %dma_wait3A_156 = arith.constant 0 : i32
        %dma_wait3A_157 = tpu.memref_slice %arg3[%add3A_135, %dma_wait3A_155, %dma_wait3A_156] : memref<2560x2x125xi32, #tpu.memory_space<hbm>> -> memref<1x2x125xi32, #tpu.memory_space<hbm>>
        %dma_wait3A_158 = tpu.memref_squeeze %dma_wait3A_157 : memref<1x2x125xi32, #tpu.memory_space<hbm>> -> memref<2x125xi32, #tpu.memory_space<hbm>>
        tpu.wait_dma2 semaphore(%run_scoped3A : memref<!tpu.dma_semaphore, #tpu.memory_space<semaphore_mem>>) src(%dma_wait3A_158 : memref<2x125xi32, #tpu.memory_space<hbm>>) dst(%arg7 : memref<2x125xi32, #tpu.memory_space<vmem>>)
        tpu.yield
      }) : () -> ()
      %dma_start3A_136 = arith.constant 0 : i32
      %dma_start3A_137 = arith.constant 0 : i32
      %dma_start3A_138 = tpu.memref_slice %arg7[%dma_start3A_136, %dma_start3A_137] : memref<2x125xi32, #tpu.memory_space<vmem>> -> memref<1x125xi32, #tpu.memory_space<vmem>>
      %dma_start3A_139 = tpu.memref_squeeze %dma_start3A_138 : memref<1x125xi32, #tpu.memory_space<vmem>> -> memref<125xi32, #tpu.memory_space<vmem>>
      %dma_start3A_140 = arith.constant 0 : i32
      %dma_start3A_141 = arith.constant 0 : i32
      %dma_start3A_142 = tpu.memref_slice %arg2[%dma_start3A_140, %dma_start3A_141] : memref<10000x128xf32, #tpu.memory_space<hbm>> -> memref<10000x128xf32, #tpu.memory_space<hbm>>
      tpu.enqueue_indirect_dma source(%dma_start3A_142 : memref<10000x128xf32, #tpu.memory_space<hbm>>) target(%arg9 : memref<125x128xf32, #tpu.memory_space<vmem>>) offsets(%dma_start3A_139 : memref<125xi32, #tpu.memory_space<vmem>>) semaphore(%arg11 : memref<!tpu.dma_semaphore, #tpu.memory_space<semaphore_mem>>)
    }
    %scan3A_41 = arith.constant 39 : i32
    %dma_wait3A_42 = arith.constant 0 : i32
    %dma_wait3A_43 = arith.constant 0 : i32
    %dma_wait3A_44 = tpu.memref_slice %arg7[%dma_wait3A_42, %dma_wait3A_43] : memref<2x125xi32, #tpu.memory_space<vmem>> -> memref<1x125xi32, #tpu.memory_space<vmem>>
    %dma_wait3A_45 = tpu.memref_squeeze %dma_wait3A_44 : memref<1x125xi32, #tpu.memory_space<vmem>> -> memref<125xi32, #tpu.memory_space<vmem>>
    %dma_wait3A_46 = arith.constant 0 : i32
    %dma_wait3A_47 = arith.constant 0 : i32
    %dma_wait3A_48 = tpu.memref_slice %arg2[%dma_wait3A_46, %dma_wait3A_47] : memref<10000x128xf32, #tpu.memory_space<hbm>> -> memref<10000x128xf32, #tpu.memory_space<hbm>>
    tpu.wait_indirect_dma semaphore(%arg11 : memref<!tpu.dma_semaphore, #tpu.memory_space<semaphore_mem>>) src(%dma_wait3A_48 : memref<10000x128xf32, #tpu.memory_space<hbm>>) dst(%arg9 : memref<125x128xf32, #tpu.memory_space<vmem>>)
    %dma_start3A_49 = arith.constant 1 : i32
    %dma_start3A_50 = arith.constant 0 : i32
    %dma_start3A_51 = tpu.memref_slice %arg7[%dma_start3A_49, %dma_start3A_50] : memref<2x125xi32, #tpu.memory_space<vmem>> -> memref<1x125xi32, #tpu.memory_space<vmem>>
    %dma_start3A_52 = tpu.memref_squeeze %dma_start3A_51 : memref<1x125xi32, #tpu.memory_space<vmem>> -> memref<125xi32, #tpu.memory_space<vmem>>
    %dma_start3A_53 = arith.constant 0 : i32
    %dma_start3A_54 = arith.constant 0 : i32
    %dma_start3A_55 = tpu.memref_slice %arg14[%dma_start3A_53, %dma_start3A_54] : memref<10000x128xf32, #tpu.memory_space<vmem_shared>> -> memref<10000x128xf32, #tpu.memory_space<vmem_shared>>
    tpu.enqueue_indirect_dma source(%arg9 : memref<125x128xf32, #tpu.memory_space<vmem>>) target(%dma_start3A_55 : memref<10000x128xf32, #tpu.memory_space<vmem_shared>>) offsets(%dma_start3A_52 : memref<125xi32, #tpu.memory_space<vmem>>) semaphore(%arg13 : memref<!tpu.dma_semaphore, #tpu.memory_space<semaphore_mem>>) {add = true}
    %dma_wait3A_56 = arith.constant 1 : i32
    %dma_wait3A_57 = arith.constant 0 : i32
    %dma_wait3A_58 = tpu.memref_slice %arg6[%dma_wait3A_56, %dma_wait3A_57] : memref<2x125xi32, #tpu.memory_space<vmem>> -> memref<1x125xi32, #tpu.memory_space<vmem>>
    %dma_wait3A_59 = tpu.memref_squeeze %dma_wait3A_58 : memref<1x125xi32, #tpu.memory_space<vmem>> -> memref<125xi32, #tpu.memory_space<vmem>>
    %dma_wait3A_60 = arith.constant 0 : i32
    %dma_wait3A_61 = arith.constant 0 : i32
    %dma_wait3A_62 = tpu.memref_slice %arg14[%dma_wait3A_60, %dma_wait3A_61] : memref<10000x128xf32, #tpu.memory_space<vmem_shared>> -> memref<10000x128xf32, #tpu.memory_space<vmem_shared>>
    tpu.wait_indirect_dma semaphore(%arg12 : memref<!tpu.dma_semaphore, #tpu.memory_space<semaphore_mem>>) src(%arg8 : memref<125x128xf32, #tpu.memory_space<vmem>>) dst(%dma_wait3A_62 : memref<10000x128xf32, #tpu.memory_space<vmem_shared>>)
    %dma_wait3A_63 = arith.constant 1 : i32
    %dma_wait3A_64 = arith.constant 0 : i32
    %dma_wait3A_65 = tpu.memref_slice %arg7[%dma_wait3A_63, %dma_wait3A_64] : memref<2x125xi32, #tpu.memory_space<vmem>> -> memref<1x125xi32, #tpu.memory_space<vmem>>
    %dma_wait3A_66 = tpu.memref_squeeze %dma_wait3A_65 : memref<1x125xi32, #tpu.memory_space<vmem>> -> memref<125xi32, #tpu.memory_space<vmem>>
    %dma_wait3A_67 = arith.constant 0 : i32
    %dma_wait3A_68 = arith.constant 0 : i32
    %dma_wait3A_69 = tpu.memref_slice %arg14[%dma_wait3A_67, %dma_wait3A_68] : memref<10000x128xf32, #tpu.memory_space<vmem_shared>> -> memref<10000x128xf32, #tpu.memory_space<vmem_shared>>
    tpu.wait_indirect_dma semaphore(%arg13 : memref<!tpu.dma_semaphore, #tpu.memory_space<semaphore_mem>>) src(%arg9 : memref<125x128xf32, #tpu.memory_space<vmem>>) dst(%dma_wait3A_69 : memref<10000x128xf32, #tpu.memory_space<vmem_shared>>)
    %barrier3A_70 = arith.constant 0 : index
    tpu.barrier barrier_id(%barrier3A_70)
    "tpu.region"() ({
      %run_scoped3A = tpu.sem_alloc : memref<!tpu.dma_semaphore, #tpu.memory_space<semaphore_mem>>
      %dma_start3A_76 = arith.constant 0 : i32
      %dma_start3A_77 = tpu.memref_slice %arg5[%arg0, %mul3A_2, %dma_start3A_76] : memref<2x10000x128xf32, #tpu.memory_space<hbm>> -> memref<1x624x128xf32, #tpu.memory_space<hbm>>
      %dma_start3A_78 = tpu.memref_squeeze %dma_start3A_77 : memref<1x624x128xf32, #tpu.memory_space<hbm>> -> memref<624x128xf32, #tpu.memory_space<hbm>>
      %dma_start3A_79 = arith.constant 0 : i32
      %dma_start3A_80 = tpu.memref_slice %arg14[%mul3A_2, %dma_start3A_79] : memref<10000x128xf32, #tpu.memory_space<vmem_shared>> -> memref<624x128xf32, #tpu.memory_space<vmem_shared>>
      tpu.enqueue_dma source(%dma_start3A_80 : memref<624x128xf32, #tpu.memory_space<vmem_shared>>) target(%dma_start3A_78 : memref<624x128xf32, #tpu.memory_space<hbm>>) target_semaphore(%run_scoped3A : memref<!tpu.dma_semaphore, #tpu.memory_space<semaphore_mem>>)
      %dma_wait3A_81 = arith.constant 0 : i32
      %dma_wait3A_82 = tpu.memref_slice %arg5[%arg0, %mul3A_2, %dma_wait3A_81] : memref<2x10000x128xf32, #tpu.memory_space<hbm>> -> memref<1x624x128xf32, #tpu.memory_space<hbm>>
      %dma_wait3A_83 = tpu.memref_squeeze %dma_wait3A_82 : memref<1x624x128xf32, #tpu.memory_space<hbm>> -> memref<624x128xf32, #tpu.memory_space<hbm>>
      %dma_wait3A_84 = arith.constant 0 : i32
      %dma_wait3A_85 = tpu.memref_slice %arg14[%mul3A_2, %dma_wait3A_84] : memref<10000x128xf32, #tpu.memory_space<vmem_shared>> -> memref<624x128xf32, #tpu.memory_space<vmem_shared>>
      tpu.wait_dma2 semaphore(%run_scoped3A : memref<!tpu.dma_semaphore, #tpu.memory_space<semaphore_mem>>) src(%dma_wait3A_85 : memref<624x128xf32, #tpu.memory_space<vmem_shared>>) dst(%dma_wait3A_83 : memref<624x128xf32, #tpu.memory_space<hbm>>)
      tpu.yield
    }) : () -> ()
    %eq3A_71 = arith.constant 0 : i32
    %eq3A_72 = arith.cmpi eq, %arg1, %eq3A_71 : i32
    %convert_element_type3A_73 = arith.extui %eq3A_72 : i1 to i32
    %cond3A_74 = arith.constant 0 : i32
    %cond3A_75 = arith.cmpi ne, %convert_element_type3A_73, %cond3A_74 : i32
    scf.if %cond3A_75 {
      "tpu.region"() ({
        %run_scoped3A = tpu.sem_alloc : memref<!tpu.dma_semaphore, #tpu.memory_space<semaphore_mem>>
        %dma_start3A_76 = arith.constant 9984 : i32
        %dma_start3A_77 = arith.constant 0 : i32
        %dma_start3A_78 = tpu.memref_slice %arg5[%arg0, %dma_start3A_76, %dma_start3A_77] : memref<2x10000x128xf32, #tpu.memory_space<hbm>> -> memref<1x16x128xf32, #tpu.memory_space<hbm>>
        %dma_start3A_79 = tpu.memref_squeeze %dma_start3A_78 : memref<1x16x128xf32, #tpu.memory_space<hbm>> -> memref<16x128xf32, #tpu.memory_space<hbm>>
        %dma_start3A_80 = arith.constant 9984 : i32
        %dma_start3A_81 = arith.constant 0 : i32
        %dma_start3A_82 = tpu.memref_slice %arg14[%dma_start3A_80, %dma_start3A_81] : memref<10000x128xf32, #tpu.memory_space<vmem_shared>> -> memref<16x128xf32, #tpu.memory_space<vmem_shared>>
        tpu.enqueue_dma source(%dma_start3A_82 : memref<16x128xf32, #tpu.memory_space<vmem_shared>>) target(%dma_start3A_79 : memref<16x128xf32, #tpu.memory_space<hbm>>) target_semaphore(%run_scoped3A : memref<!tpu.dma_semaphore, #tpu.memory_space<semaphore_mem>>)
        %dma_wait3A_83 = arith.constant 9984 : i32
        %dma_wait3A_84 = arith.constant 0 : i32
        %dma_wait3A_85 = tpu.memref_slice %arg5[%arg0, %dma_wait3A_83, %dma_wait3A_84] : memref<2x10000x128xf32, #tpu.memory_space<hbm>> -> memref<1x16x128xf32, #tpu.memory_space<hbm>>
        %dma_wait3A_86 = tpu.memref_squeeze %dma_wait3A_85 : memref<1x16x128xf32, #tpu.memory_space<hbm>> -> memref<16x128xf32, #tpu.memory_space<hbm>>
        %dma_wait3A_87 = arith.constant 9984 : i32
        %dma_wait3A_88 = arith.constant 0 : i32
        %dma_wait3A_89 = tpu.memref_slice %arg14[%dma_wait3A_87, %dma_wait3A_88] : memref<10000x128xf32, #tpu.memory_space<vmem_shared>> -> memref<16x128xf32, #tpu.memory_space<vmem_shared>>
        tpu.wait_dma2 semaphore(%run_scoped3A : memref<!tpu.dma_semaphore, #tpu.memory_space<semaphore_mem>>) src(%dma_wait3A_89 : memref<16x128xf32, #tpu.memory_space<vmem_shared>>) dst(%dma_wait3A_86 : memref<16x128xf32, #tpu.memory_space<hbm>>)
        tpu.yield
      }) : () -> ()
    } else {
    }
    return
  }
}

#map = affine_map<(d0, d1) -> (0, 0)>
#map1 = affine_map<(d0, d1) -> (0, 0, 0)>
module attributes {stable_mosaic.version = 14 : i64} {
  func.func @_sc_scatter_add(%arg0: i32, %arg1: i32, %arg2: memref<10000x128xf32, #tpu.memory_space<hbm>>, %arg3: memref<2560x2x125xi32, #tpu.memory_space<hbm>>, %arg4: memref<10000x128xf32, #tpu.memory_space<hbm>>, %arg5: memref<2x10000x128xf32, #tpu.memory_space<hbm>>, %arg6: memref<2x125xi32, #tpu.memory_space<vmem>>, %arg7: memref<2x125xi32, #tpu.memory_space<vmem>>, %arg8: memref<125x128xf32, #tpu.memory_space<vmem>>, %arg9: memref<125x128xf32, #tpu.memory_space<vmem>>, %arg10: memref<!tpu.dma_semaphore, #tpu.memory_space<semaphore_mem>>, %arg11: memref<!tpu.dma_semaphore, #tpu.memory_space<semaphore_mem>>, %arg12: memref<!tpu.dma_semaphore, #tpu.memory_space<semaphore_mem>>, %arg13: memref<!tpu.dma_semaphore, #tpu.memory_space<semaphore_mem>>, %arg14: memref<10000x128xf32, #tpu.memory_space<vmem_shared>>) attributes {dimension_semantics = [#tpu.dimension_semantics<core_parallel>, #tpu.dimension_semantics<subcore_parallel>], iteration_bounds = array<i64: 2, 16>, scalar_prefetch = 0 : i64, scratch_operands = 9 : i64, tpu.core_type = #tpu.core_type<sc_vector_subcore>, window_params = [{transform_indices = #map}, {transform_indices = #map1}, {transform_indices = #map}, {transform_indices = #map1}]} {
    %mul3A = arith.constant 2 : i32
    %mul3A_0 = arith.muli %arg1, %mul3A : i32
    %add3A = arith.addi %mul3A_0, %arg0 : i32
    %mul3A_1 = arith.constant 624 : i32
    %mul3A_2 = arith.muli %arg1, %mul3A_1 : i32
    %mul3A_3 = arith.constant 80 : i32
    %mul3A_4 = arith.muli %add3A, %mul3A_3 : i32
    %add3A_5 = arith.constant 0 : i32
    %add3A_6 = arith.addi %mul3A_4, %add3A_5 : i32
    "tpu.region"() ({
      %run_scoped3A = tpu.sem_alloc : memref<!tpu.dma_semaphore, #tpu.memory_space<semaphore_mem>>
      %dma_start3A_76 = arith.constant 0 : i32
      %dma_start3A_77 = arith.constant 0 : i32
      %dma_start3A_78 = tpu.memref_slice %arg3[%add3A_6, %dma_start3A_76, %dma_start3A_77] : memref<2560x2x125xi32, #tpu.memory_space<hbm>> -> memref<1x2x125xi32, #tpu.memory_space<hbm>>
      %dma_start3A_79 = tpu.memref_squeeze %dma_start3A_78 : memref<1x2x125xi32, #tpu.memory_space<hbm>> -> memref<2x125xi32, #tpu.memory_space<hbm>>
      %dma_start3A_80 = arith.constant 0 : i32
      %dma_start3A_81 = arith.constant 0 : i32
      %dma_start3A_82 = tpu.memref_slice %arg3[%add3A_6, %dma_start3A_80, %dma_start3A_81] : memref<2560x2x125xi32, #tpu.memory_space<hbm>> -> memref<1x2x125xi32, #tpu.memory_space<hbm>>
      %dma_start3A_83 = tpu.memref_squeeze %dma_start3A_82 : memref<1x2x125xi32, #tpu.memory_space<hbm>> -> memref<2x125xi32, #tpu.memory_space<hbm>>
      tpu.enqueue_dma source(%dma_start3A_83 : memref<2x125xi32, #tpu.memory_space<hbm>>) target(%arg6 : memref<2x125xi32, #tpu.memory_space<vmem>>) target_semaphore(%run_scoped3A : memref<!tpu.dma_semaphore, #tpu.memory_space<semaphore_mem>>)
      %dma_wait3A_84 = arith.constant 0 : i32
      %dma_wait3A_85 = arith.constant 0 : i32
      %dma_wait3A_86 = tpu.memref_slice %arg3[%add3A_6, %dma_wait3A_84, %dma_wait3A_85] : memref<2560x2x125xi32, #tpu.memory_space<hbm>> -> memref<1x2x125xi32, #tpu.memory_space<hbm>>
      %dma_wait3A_87 = tpu.memref_squeeze %dma_wait3A_86 : memref<1x2x125xi32, #tpu.memory_space<hbm>> -> memref<2x125xi32, #tpu.memory_space<hbm>>
      %dma_wait3A_88 = arith.constant 0 : i32
      %dma_wait3A_89 = arith.constant 0 : i32
      %dma_wait3A_90 = tpu.memref_slice %arg3[%add3A_6, %dma_wait3A_88, %dma_wait3A_89] : memref<2560x2x125xi32, #tpu.memory_space<hbm>> -> memref<1x2x125xi32, #tpu.memory_space<hbm>>
      %dma_wait3A_91 = tpu.memref_squeeze %dma_wait3A_90 : memref<1x2x125xi32, #tpu.memory_space<hbm>> -> memref<2x125xi32, #tpu.memory_space<hbm>>
      tpu.wait_dma2 semaphore(%run_scoped3A : memref<!tpu.dma_semaphore, #tpu.memory_space<semaphore_mem>>) src(%dma_wait3A_91 : memref<2x125xi32, #tpu.memory_space<hbm>>) dst(%arg6 : memref<2x125xi32, #tpu.memory_space<vmem>>)
      tpu.yield
    }) : () -> ()
    %dma_start3A = arith.constant 0 : i32
    %dma_start3A_7 = arith.constant 0 : i32
    %dma_start3A_8 = tpu.memref_slice %arg6[%dma_start3A, %dma_start3A_7] : memref<2x125xi32, #tpu.memory_space<vmem>> -> memref<1x125xi32, #tpu.memory_space<vmem>>
    %dma_start3A_9 = tpu.memref_squeeze %dma_start3A_8 : memref<1x125xi32, #tpu.memory_space<vmem>> -> memref<125xi32, #tpu.memory_space<vmem>>
    %dma_start3A_10 = arith.constant 0 : i32
    %dma_start3A_11 = arith.constant 0 : i32
    %dma_start3A_12 = tpu.memref_slice %arg2[%dma_start3A_10, %dma_start3A_11] : memref<10000x128xf32, #tpu.memory_space<hbm>> -> memref<10000x128xf32, #tpu.memory_space<hbm>>
    tpu.enqueue_indirect_dma source(%dma_start3A_12 : memref<10000x128xf32, #tpu.memory_space<hbm>>) target(%arg8 : memref<125x128xf32, #tpu.memory_space<vmem>>) offsets(%dma_start3A_9 : memref<125xi32, #tpu.memory_space<vmem>>) semaphore(%arg10 : memref<!tpu.dma_semaphore, #tpu.memory_space<semaphore_mem>>)
    %add3A_13 = arith.constant 1 : i32
    %add3A_14 = arith.addi %mul3A_4, %add3A_13 : i32
    "tpu.region"() ({
      %run_scoped3A = tpu.sem_alloc : memref<!tpu.dma_semaphore, #tpu.memory_space<semaphore_mem>>
      %dma_start3A_76 = arith.constant 0 : i32
      %dma_start3A_77 = arith.constant 0 : i32
      %dma_start3A_78 = tpu.memref_slice %arg3[%add3A_14, %dma_start3A_76, %dma_start3A_77] : memref<2560x2x125xi32, #tpu.memory_space<hbm>> -> memref<1x2x125xi32, #tpu.memory_space<hbm>>
      %dma_start3A_79 = tpu.memref_squeeze %dma_start3A_78 : memref<1x2x125xi32, #tpu.memory_space<hbm>> -> memref<2x125xi32, #tpu.memory_space<hbm>>
      %dma_start3A_80 = arith.constant 0 : i32
      %dma_start3A_81 = arith.constant 0 : i32
      %dma_start3A_82 = tpu.memref_slice %arg3[%add3A_14, %dma_start3A_80, %dma_start3A_81] : memref<2560x2x125xi32, #tpu.memory_space<hbm>> -> memref<1x2x125xi32, #tpu.memory_space<hbm>>
      %dma_start3A_83 = tpu.memref_squeeze %dma_start3A_82 : memref<1x2x125xi32, #tpu.memory_space<hbm>> -> memref<2x125xi32, #tpu.memory_space<hbm>>
      tpu.enqueue_dma source(%dma_start3A_83 : memref<2x125xi32, #tpu.memory_space<hbm>>) target(%arg7 : memref<2x125xi32, #tpu.memory_space<vmem>>) target_semaphore(%run_scoped3A : memref<!tpu.dma_semaphore, #tpu.memory_space<semaphore_mem>>)
      %dma_wait3A_84 = arith.constant 0 : i32
      %dma_wait3A_85 = arith.constant 0 : i32
      %dma_wait3A_86 = tpu.memref_slice %arg3[%add3A_14, %dma_wait3A_84, %dma_wait3A_85] : memref<2560x2x125xi32, #tpu.memory_space<hbm>> -> memref<1x2x125xi32, #tpu.memory_space<hbm>>
      %dma_wait3A_87 = tpu.memref_squeeze %dma_wait3A_86 : memref<1x2x125xi32, #tpu.memory_space<hbm>> -> memref<2x125xi32, #tpu.memory_space<hbm>>
      %dma_wait3A_88 = arith.constant 0 : i32
      %dma_wait3A_89 = arith.constant 0 : i32
      %dma_wait3A_90 = tpu.memref_slice %arg3[%add3A_14, %dma_wait3A_88, %dma_wait3A_89] : memref<2560x2x125xi32, #tpu.memory_space<hbm>> -> memref<1x2x125xi32, #tpu.memory_space<hbm>>
      %dma_wait3A_91 = tpu.memref_squeeze %dma_wait3A_90 : memref<1x2x125xi32, #tpu.memory_space<hbm>> -> memref<2x125xi32, #tpu.memory_space<hbm>>
      tpu.wait_dma2 semaphore(%run_scoped3A : memref<!tpu.dma_semaphore, #tpu.memory_space<semaphore_mem>>) src(%dma_wait3A_91 : memref<2x125xi32, #tpu.memory_space<hbm>>) dst(%arg7 : memref<2x125xi32, #tpu.memory_space<vmem>>)
      tpu.yield
    }) : () -> ()
    %dma_start3A_15 = arith.constant 0 : i32
    %dma_start3A_16 = arith.constant 0 : i32
    %dma_start3A_17 = tpu.memref_slice %arg7[%dma_start3A_15, %dma_start3A_16] : memref<2x125xi32, #tpu.memory_space<vmem>> -> memref<1x125xi32, #tpu.memory_space<vmem>>
    %dma_start3A_18 = tpu.memref_squeeze %dma_start3A_17 : memref<1x125xi32, #tpu.memory_space<vmem>> -> memref<125xi32, #tpu.memory_space<vmem>>
    %dma_start3A_19 = arith.constant 0 : i32
    %dma_start3A_20 = arith.constant 0 : i32
    %dma_start3A_21 = tpu.memref_slice %arg2[%dma_start3A_19, %dma_start3A_20] : memref<10000x128xf32, #tpu.memory_space<hbm>> -> memref<10000x128xf32, #tpu.memory_space<hbm>>
    tpu.enqueue_indirect_dma source(%dma_start3A_21 : memref<10000x128xf32, #tpu.memory_space<hbm>>) target(%arg9 : memref<125x128xf32, #tpu.memory_space<vmem>>) offsets(%dma_start3A_18 : memref<125xi32, #tpu.memory_space<vmem>>) semaphore(%arg11 : memref<!tpu.dma_semaphore, #tpu.memory_space<semaphore_mem>>)
    "tpu.region"() ({
      %run_scoped3A = tpu.sem_alloc : memref<!tpu.dma_semaphore, #tpu.memory_space<semaphore_mem>>
      %dma_start3A_76 = arith.constant 0 : i32
      %dma_start3A_77 = tpu.memref_slice %arg14[%mul3A_2, %dma_start3A_76] : memref<10000x128xf32, #tpu.memory_space<vmem_shared>> -> memref<624x128xf32, #tpu.memory_space<vmem_shared>>
      %dma_start3A_78 = arith.constant 0 : i32
      %dma_start3A_79 = tpu.memref_slice %arg4[%mul3A_2, %dma_start3A_78] : memref<10000x128xf32, #tpu.memory_space<hbm>> -> memref<624x128xf32, #tpu.memory_space<hbm>>
      tpu.enqueue_dma source(%dma_start3A_79 : memref<624x128xf32, #tpu.memory_space<hbm>>) target(%dma_start3A_77 : memref<624x128xf32, #tpu.memory_space<vmem_shared>>) target_semaphore(%run_scoped3A : memref<!tpu.dma_semaphore, #tpu.memory_space<semaphore_mem>>)
      %dma_wait3A_80 = arith.constant 0 : i32
      %dma_wait3A_81 = tpu.memref_slice %arg14[%mul3A_2, %dma_wait3A_80] : memref<10000x128xf32, #tpu.memory_space<vmem_shared>> -> memref<624x128xf32, #tpu.memory_space<vmem_shared>>
      %dma_wait3A_82 = arith.constant 0 : i32
      %dma_wait3A_83 = tpu.memref_slice %arg4[%mul3A_2, %dma_wait3A_82] : memref<10000x128xf32, #tpu.memory_space<hbm>> -> memref<624x128xf32, #tpu.memory_space<hbm>>
      tpu.wait_dma2 semaphore(%run_scoped3A : memref<!tpu.dma_semaphore, #tpu.memory_space<semaphore_mem>>) src(%dma_wait3A_83 : memref<624x128xf32, #tpu.memory_space<hbm>>) dst(%dma_wait3A_81 : memref<624x128xf32, #tpu.memory_space<vmem_shared>>)
      tpu.yield
    }) : () -> ()
    %eq3A = arith.constant 0 : i32
    %eq3A_22 = arith.cmpi eq, %arg1, %eq3A : i32
    %convert_element_type3A = arith.extui %eq3A_22 : i1 to i32
    %cond3A = arith.constant 0 : i32
    %cond3A_23 = arith.cmpi ne, %convert_element_type3A, %cond3A : i32
    scf.if %cond3A_23 {
      "tpu.region"() ({
        %run_scoped3A = tpu.sem_alloc : memref<!tpu.dma_semaphore, #tpu.memory_space<semaphore_mem>>
        %dma_start3A_76 = arith.constant 9984 : i32
        %dma_start3A_77 = arith.constant 0 : i32
        %dma_start3A_78 = tpu.memref_slice %arg14[%dma_start3A_76, %dma_start3A_77] : memref<10000x128xf32, #tpu.memory_space<vmem_shared>> -> memref<16x128xf32, #tpu.memory_space<vmem_shared>>
        %dma_start3A_79 = arith.constant 9984 : i32
        %dma_start3A_80 = arith.constant 0 : i32
        %dma_start3A_81 = tpu.memref_slice %arg4[%dma_start3A_79, %dma_start3A_80] : memref<10000x128xf32, #tpu.memory_space<hbm>> -> memref<16x128xf32, #tpu.memory_space<hbm>>
        tpu.enqueue_dma source(%dma_start3A_81 : memref<16x128xf32, #tpu.memory_space<hbm>>) target(%dma_start3A_78 : memref<16x128xf32, #tpu.memory_space<vmem_shared>>) target_semaphore(%run_scoped3A : memref<!tpu.dma_semaphore, #tpu.memory_space<semaphore_mem>>)
        %dma_wait3A_82 = arith.constant 9984 : i32
        %dma_wait3A_83 = arith.constant 0 : i32
        %dma_wait3A_84 = tpu.memref_slice %arg14[%dma_wait3A_82, %dma_wait3A_83] : memref<10000x128xf32, #tpu.memory_space<vmem_shared>> -> memref<16x128xf32, #tpu.memory_space<vmem_shared>>
        %dma_wait3A_85 = arith.constant 9984 : i32
        %dma_wait3A_86 = arith.constant 0 : i32
        %dma_wait3A_87 = tpu.memref_slice %arg4[%dma_wait3A_85, %dma_wait3A_86] : memref<10000x128xf32, #tpu.memory_space<hbm>> -> memref<16x128xf32, #tpu.memory_space<hbm>>
        tpu.wait_dma2 semaphore(%run_scoped3A : memref<!tpu.dma_semaphore, #tpu.memory_space<semaphore_mem>>) src(%dma_wait3A_87 : memref<16x128xf32, #tpu.memory_space<hbm>>) dst(%dma_wait3A_84 : memref<16x128xf32, #tpu.memory_space<vmem_shared>>)
        tpu.yield
      }) : () -> ()
    } else {
    }
    %barrier3A = arith.constant 0 : index
    tpu.barrier barrier_id(%barrier3A)
    %dma_wait3A = arith.constant 0 : i32
    %dma_wait3A_24 = arith.constant 0 : i32
    %dma_wait3A_25 = tpu.memref_slice %arg6[%dma_wait3A, %dma_wait3A_24] : memref<2x125xi32, #tpu.memory_space<vmem>> -> memref<1x125xi32, #tpu.memory_space<vmem>>
    %dma_wait3A_26 = tpu.memref_squeeze %dma_wait3A_25 : memref<1x125xi32, #tpu.memory_space<vmem>> -> memref<125xi32, #tpu.memory_space<vmem>>
    %dma_wait3A_27 = arith.constant 0 : i32
    %dma_wait3A_28 = arith.constant 0 : i32
    %dma_wait3A_29 = tpu.memref_slice %arg2[%dma_wait3A_27, %dma_wait3A_28] : memref<10000x128xf32, #tpu.memory_space<hbm>> -> memref<10000x128xf32, #tpu.memory_space<hbm>>
    tpu.wait_indirect_dma semaphore(%arg10 : memref<!tpu.dma_semaphore, #tpu.memory_space<semaphore_mem>>) src(%dma_wait3A_29 : memref<10000x128xf32, #tpu.memory_space<hbm>>) dst(%arg8 : memref<125x128xf32, #tpu.memory_space<vmem>>)
    %dma_start3A_30 = arith.constant 1 : i32
    %dma_start3A_31 = arith.constant 0 : i32
    %dma_start3A_32 = tpu.memref_slice %arg6[%dma_start3A_30, %dma_start3A_31] : memref<2x125xi32, #tpu.memory_space<vmem>> -> memref<1x125xi32, #tpu.memory_space<vmem>>
    %dma_start3A_33 = tpu.memref_squeeze %dma_start3A_32 : memref<1x125xi32, #tpu.memory_space<vmem>> -> memref<125xi32, #tpu.memory_space<vmem>>
    %dma_start3A_34 = arith.constant 0 : i32
    %dma_start3A_35 = arith.constant 0 : i32
    %dma_start3A_36 = tpu.memref_slice %arg14[%dma_start3A_34, %dma_start3A_35] : memref<10000x128xf32, #tpu.memory_space<vmem_shared>> -> memref<10000x128xf32, #tpu.memory_space<vmem_shared>>
    tpu.enqueue_indirect_dma source(%arg8 : memref<125x128xf32, #tpu.memory_space<vmem>>) target(%dma_start3A_36 : memref<10000x128xf32, #tpu.memory_space<vmem_shared>>) offsets(%dma_start3A_33 : memref<125xi32, #tpu.memory_space<vmem>>) semaphore(%arg12 : memref<!tpu.dma_semaphore, #tpu.memory_space<semaphore_mem>>) {add = true}
    %scan3A = arith.constant 0 : i32
    %scan3A_37 = arith.constant 0 : i32
    %scan3A_38 = arith.constant 39 : i32
    %scan3A_39 = arith.addi %scan3A_37, %scan3A_38 : i32
    %scan3A_40 = arith.constant 1 : i32
    scf.for %scan3A_76 = %scan3A_37 to %scan3A_39 step %scan3A_40  : i32 {
      %dma_wait3A_77 = arith.constant 0 : i32
      %dma_wait3A_78 = arith.constant 0 : i32
      %dma_wait3A_79 = tpu.memref_slice %arg7[%dma_wait3A_77, %dma_wait3A_78] : memref<2x125xi32, #tpu.memory_space<vmem>> -> memref<1x125xi32, #tpu.memory_space<vmem>>
      %dma_wait3A_80 = tpu.memref_squeeze %dma_wait3A_79 : memref<1x125xi32, #tpu.memory_space<vmem>> -> memref<125xi32, #tpu.memory_space<vmem>>
      %dma_wait3A_81 = arith.constant 0 : i32
      %dma_wait3A_82 = arith.constant 0 : i32
      %dma_wait3A_83 = tpu.memref_slice %arg2[%dma_wait3A_81, %dma_wait3A_82] : memref<10000x128xf32, #tpu.memory_space<hbm>> -> memref<10000x128xf32, #tpu.memory_space<hbm>>
      tpu.wait_indirect_dma semaphore(%arg11 : memref<!tpu.dma_semaphore, #tpu.memory_space<semaphore_mem>>) src(%dma_wait3A_83 : memref<10000x128xf32, #tpu.memory_space<hbm>>) dst(%arg9 : memref<125x128xf32, #tpu.memory_space<vmem>>)
      %dma_start3A_84 = arith.constant 1 : i32
      %dma_start3A_85 = arith.constant 0 : i32
      %dma_start3A_86 = tpu.memref_slice %arg7[%dma_start3A_84, %dma_start3A_85] : memref<2x125xi32, #tpu.memory_space<vmem>> -> memref<1x125xi32, #tpu.memory_space<vmem>>
      %dma_start3A_87 = tpu.memref_squeeze %dma_start3A_86 : memref<1x125xi32, #tpu.memory_space<vmem>> -> memref<125xi32, #tpu.memory_space<vmem>>
      %dma_start3A_88 = arith.constant 0 : i32
      %dma_start3A_89 = arith.constant 0 : i32
      %dma_start3A_90 = tpu.memref_slice %arg14[%dma_start3A_88, %dma_start3A_89] : memref<10000x128xf32, #tpu.memory_space<vmem_shared>> -> memref<10000x128xf32, #tpu.memory_space<vmem_shared>>
      tpu.enqueue_indirect_dma source(%arg9 : memref<125x128xf32, #tpu.memory_space<vmem>>) target(%dma_start3A_90 : memref<10000x128xf32, #tpu.memory_space<vmem_shared>>) offsets(%dma_start3A_87 : memref<125xi32, #tpu.memory_space<vmem>>) semaphore(%arg13 : memref<!tpu.dma_semaphore, #tpu.memory_space<semaphore_mem>>) {add = true}
      %dma_wait3A_91 = arith.constant 1 : i32
      %dma_wait3A_92 = arith.constant 0 : i32
      %dma_wait3A_93 = tpu.memref_slice %arg6[%dma_wait3A_91, %dma_wait3A_92] : memref<2x125xi32, #tpu.memory_space<vmem>> -> memref<1x125xi32, #tpu.memory_space<vmem>>
      %dma_wait3A_94 = tpu.memref_squeeze %dma_wait3A_93 : memref<1x125xi32, #tpu.memory_space<vmem>> -> memref<125xi32, #tpu.memory_space<vmem>>
      %dma_wait3A_95 = arith.constant 0 : i32
      %dma_wait3A_96 = arith.constant 0 : i32
      %dma_wait3A_97 = tpu.memref_slice %arg14[%dma_wait3A_95, %dma_wait3A_96] : memref<10000x128xf32, #tpu.memory_space<vmem_shared>> -> memref<10000x128xf32, #tpu.memory_space<vmem_shared>>
      tpu.wait_indirect_dma semaphore(%arg12 : memref<!tpu.dma_semaphore, #tpu.memory_space<semaphore_mem>>) src(%arg8 : memref<125x128xf32, #tpu.memory_space<vmem>>) dst(%dma_wait3A_97 : memref<10000x128xf32, #tpu.memory_space<vmem_shared>>)
      %mul3A_98 = arith.constant 2 : i32
      %mul3A_99 = arith.muli %mul3A_98, %scan3A_76 : i32
      %add3A_100 = arith.constant 2 : i32
      %add3A_101 = arith.addi %mul3A_99, %add3A_100 : i32
      %add3A_102 = arith.addi %mul3A_4, %add3A_101 : i32
      "tpu.region"() ({
        %run_scoped3A = tpu.sem_alloc : memref<!tpu.dma_semaphore, #tpu.memory_space<semaphore_mem>>
        %dma_start3A_143 = arith.constant 0 : i32
        %dma_start3A_144 = arith.constant 0 : i32
        %dma_start3A_145 = tpu.memref_slice %arg3[%add3A_102, %dma_start3A_143, %dma_start3A_144] : memref<2560x2x125xi32, #tpu.memory_space<hbm>> -> memref<1x2x125xi32, #tpu.memory_space<hbm>>
        %dma_start3A_146 = tpu.memref_squeeze %dma_start3A_145 : memref<1x2x125xi32, #tpu.memory_space<hbm>> -> memref<2x125xi32, #tpu.memory_space<hbm>>
        %dma_start3A_147 = arith.constant 0 : i32
        %dma_start3A_148 = arith.constant 0 : i32
        %dma_start3A_149 = tpu.memref_slice %arg3[%add3A_102, %dma_start3A_147, %dma_start3A_148] : memref<2560x2x125xi32, #tpu.memory_space<hbm>> -> memref<1x2x125xi32, #tpu.memory_space<hbm>>
        %dma_start3A_150 = tpu.memref_squeeze %dma_start3A_149 : memref<1x2x125xi32, #tpu.memory_space<hbm>> -> memref<2x125xi32, #tpu.memory_space<hbm>>
        tpu.enqueue_dma source(%dma_start3A_150 : memref<2x125xi32, #tpu.memory_space<hbm>>) target(%arg6 : memref<2x125xi32, #tpu.memory_space<vmem>>) target_semaphore(%run_scoped3A : memref<!tpu.dma_semaphore, #tpu.memory_space<semaphore_mem>>)
        %dma_wait3A_151 = arith.constant 0 : i32
        %dma_wait3A_152 = arith.constant 0 : i32
        %dma_wait3A_153 = tpu.memref_slice %arg3[%add3A_102, %dma_wait3A_151, %dma_wait3A_152] : memref<2560x2x125xi32, #tpu.memory_space<hbm>> -> memref<1x2x125xi32, #tpu.memory_space<hbm>>
        %dma_wait3A_154 = tpu.memref_squeeze %dma_wait3A_153 : memref<1x2x125xi32, #tpu.memory_space<hbm>> -> memref<2x125xi32, #tpu.memory_space<hbm>>
        %dma_wait3A_155 = arith.constant 0 : i32
        %dma_wait3A_156 = arith.constant 0 : i32
        %dma_wait3A_157 = tpu.memref_slice %arg3[%add3A_102, %dma_wait3A_155, %dma_wait3A_156] : memref<2560x2x125xi32, #tpu.memory_space<hbm>> -> memref<1x2x125xi32, #tpu.memory_space<hbm>>
        %dma_wait3A_158 = tpu.memref_squeeze %dma_wait3A_157 : memref<1x2x125xi32, #tpu.memory_space<hbm>> -> memref<2x125xi32, #tpu.memory_space<hbm>>
        tpu.wait_dma2 semaphore(%run_scoped3A : memref<!tpu.dma_semaphore, #tpu.memory_space<semaphore_mem>>) src(%dma_wait3A_158 : memref<2x125xi32, #tpu.memory_space<hbm>>) dst(%arg6 : memref<2x125xi32, #tpu.memory_space<vmem>>)
        tpu.yield
      }) : () -> ()
      %dma_start3A_103 = arith.constant 0 : i32
      %dma_start3A_104 = arith.constant 0 : i32
      %dma_start3A_105 = tpu.memref_slice %arg6[%dma_start3A_103, %dma_start3A_104] : memref<2x125xi32, #tpu.memory_space<vmem>> -> memref<1x125xi32, #tpu.memory_space<vmem>>
      %dma_start3A_106 = tpu.memref_squeeze %dma_start3A_105 : memref<1x125xi32, #tpu.memory_space<vmem>> -> memref<125xi32, #tpu.memory_space<vmem>>
      %dma_start3A_107 = arith.constant 0 : i32
      %dma_start3A_108 = arith.constant 0 : i32
      %dma_start3A_109 = tpu.memref_slice %arg2[%dma_start3A_107, %dma_start3A_108] : memref<10000x128xf32, #tpu.memory_space<hbm>> -> memref<10000x128xf32, #tpu.memory_space<hbm>>
      tpu.enqueue_indirect_dma source(%dma_start3A_109 : memref<10000x128xf32, #tpu.memory_space<hbm>>) target(%arg8 : memref<125x128xf32, #tpu.memory_space<vmem>>) offsets(%dma_start3A_106 : memref<125xi32, #tpu.memory_space<vmem>>) semaphore(%arg10 : memref<!tpu.dma_semaphore, #tpu.memory_space<semaphore_mem>>)
      %dma_wait3A_110 = arith.constant 0 : i32
      %dma_wait3A_111 = arith.constant 0 : i32
      %dma_wait3A_112 = tpu.memref_slice %arg6[%dma_wait3A_110, %dma_wait3A_111] : memref<2x125xi32, #tpu.memory_space<vmem>> -> memref<1x125xi32, #tpu.memory_space<vmem>>
      %dma_wait3A_113 = tpu.memref_squeeze %dma_wait3A_112 : memref<1x125xi32, #tpu.memory_space<vmem>> -> memref<125xi32, #tpu.memory_space<vmem>>
      %dma_wait3A_114 = arith.constant 0 : i32
      %dma_wait3A_115 = arith.constant 0 : i32
      %dma_wait3A_116 = tpu.memref_slice %arg2[%dma_wait3A_114, %dma_wait3A_115] : memref<10000x128xf32, #tpu.memory_space<hbm>> -> memref<10000x128xf32, #tpu.memory_space<hbm>>
      tpu.wait_indirect_dma semaphore(%arg10 : memref<!tpu.dma_semaphore, #tpu.memory_space<semaphore_mem>>) src(%dma_wait3A_116 : memref<10000x128xf32, #tpu.memory_space<hbm>>) dst(%arg8 : memref<125x128xf32, #tpu.memory_space<vmem>>)
      %dma_start3A_117 = arith.constant 1 : i32
      %dma_start3A_118 = arith.constant 0 : i32
      %dma_start3A_119 = tpu.memref_slice %arg6[%dma_start3A_117, %dma_start3A_118] : memref<2x125xi32, #tpu.memory_space<vmem>> -> memref<1x125xi32, #tpu.memory_space<vmem>>
      %dma_start3A_120 = tpu.memref_squeeze %dma_start3A_119 : memref<1x125xi32, #tpu.memory_space<vmem>> -> memref<125xi32, #tpu.memory_space<vmem>>
      %dma_start3A_121 = arith.constant 0 : i32
      %dma_start3A_122 = arith.constant 0 : i32
      %dma_start3A_123 = tpu.memref_slice %arg14[%dma_start3A_121, %dma_start3A_122] : memref<10000x128xf32, #tpu.memory_space<vmem_shared>> -> memref<10000x128xf32, #tpu.memory_space<vmem_shared>>
      tpu.enqueue_indirect_dma source(%arg8 : memref<125x128xf32, #tpu.memory_space<vmem>>) target(%dma_start3A_123 : memref<10000x128xf32, #tpu.memory_space<vmem_shared>>) offsets(%dma_start3A_120 : memref<125xi32, #tpu.memory_space<vmem>>) semaphore(%arg12 : memref<!tpu.dma_semaphore, #tpu.memory_space<semaphore_mem>>) {add = true}
      %dma_wait3A_124 = arith.constant 1 : i32
      %dma_wait3A_125 = arith.constant 0 : i32
      %dma_wait3A_126 = tpu.memref_slice %arg7[%dma_wait3A_124, %dma_wait3A_125] : memref<2x125xi32, #tpu.memory_space<vmem>> -> memref<1x125xi32, #tpu.memory_space<vmem>>
      %dma_wait3A_127 = tpu.memref_squeeze %dma_wait3A_126 : memref<1x125xi32, #tpu.memory_space<vmem>> -> memref<125xi32, #tpu.memory_space<vmem>>
      %dma_wait3A_128 = arith.constant 0 : i32
      %dma_wait3A_129 = arith.constant 0 : i32
      %dma_wait3A_130 = tpu.memref_slice %arg14[%dma_wait3A_128, %dma_wait3A_129] : memref<10000x128xf32, #tpu.memory_space<vmem_shared>> -> memref<10000x128xf32, #tpu.memory_space<vmem_shared>>
      tpu.wait_indirect_dma semaphore(%arg13 : memref<!tpu.dma_semaphore, #tpu.memory_space<semaphore_mem>>) src(%arg9 : memref<125x128xf32, #tpu.memory_space<vmem>>) dst(%dma_wait3A_130 : memref<10000x128xf32, #tpu.memory_space<vmem_shared>>)
      %mul3A_131 = arith.constant 2 : i32
      %mul3A_132 = arith.muli %mul3A_131, %scan3A_76 : i32
      %add3A_133 = arith.constant 3 : i32
      %add3A_134 = arith.addi %mul3A_132, %add3A_133 : i32
      %add3A_135 = arith.addi %mul3A_4, %add3A_134 : i32
      "tpu.region"() ({
        %run_scoped3A = tpu.sem_alloc : memref<!tpu.dma_semaphore, #tpu.memory_space<semaphore_mem>>
        %dma_start3A_143 = arith.constant 0 : i32
        %dma_start3A_144 = arith.constant 0 : i32
        %dma_start3A_145 = tpu.memref_slice %arg3[%add3A_135, %dma_start3A_143, %dma_start3A_144] : memref<2560x2x125xi32, #tpu.memory_space<hbm>> -> memref<1x2x125xi32, #tpu.memory_space<hbm>>
        %dma_start3A_146 = tpu.memref_squeeze %dma_start3A_145 : memref<1x2x125xi32, #tpu.memory_space<hbm>> -> memref<2x125xi32, #tpu.memory_space<hbm>>
        %dma_start3A_147 = arith.constant 0 : i32
        %dma_start3A_148 = arith.constant 0 : i32
        %dma_start3A_149 = tpu.memref_slice %arg3[%add3A_135, %dma_start3A_147, %dma_start3A_148] : memref<2560x2x125xi32, #tpu.memory_space<hbm>> -> memref<1x2x125xi32, #tpu.memory_space<hbm>>
        %dma_start3A_150 = tpu.memref_squeeze %dma_start3A_149 : memref<1x2x125xi32, #tpu.memory_space<hbm>> -> memref<2x125xi32, #tpu.memory_space<hbm>>
        tpu.enqueue_dma source(%dma_start3A_150 : memref<2x125xi32, #tpu.memory_space<hbm>>) target(%arg7 : memref<2x125xi32, #tpu.memory_space<vmem>>) target_semaphore(%run_scoped3A : memref<!tpu.dma_semaphore, #tpu.memory_space<semaphore_mem>>)
        %dma_wait3A_151 = arith.constant 0 : i32
        %dma_wait3A_152 = arith.constant 0 : i32
        %dma_wait3A_153 = tpu.memref_slice %arg3[%add3A_135, %dma_wait3A_151, %dma_wait3A_152] : memref<2560x2x125xi32, #tpu.memory_space<hbm>> -> memref<1x2x125xi32, #tpu.memory_space<hbm>>
        %dma_wait3A_154 = tpu.memref_squeeze %dma_wait3A_153 : memref<1x2x125xi32, #tpu.memory_space<hbm>> -> memref<2x125xi32, #tpu.memory_space<hbm>>
        %dma_wait3A_155 = arith.constant 0 : i32
        %dma_wait3A_156 = arith.constant 0 : i32
        %dma_wait3A_157 = tpu.memref_slice %arg3[%add3A_135, %dma_wait3A_155, %dma_wait3A_156] : memref<2560x2x125xi32, #tpu.memory_space<hbm>> -> memref<1x2x125xi32, #tpu.memory_space<hbm>>
        %dma_wait3A_158 = tpu.memref_squeeze %dma_wait3A_157 : memref<1x2x125xi32, #tpu.memory_space<hbm>> -> memref<2x125xi32, #tpu.memory_space<hbm>>
        tpu.wait_dma2 semaphore(%run_scoped3A : memref<!tpu.dma_semaphore, #tpu.memory_space<semaphore_mem>>) src(%dma_wait3A_158 : memref<2x125xi32, #tpu.memory_space<hbm>>) dst(%arg7 : memref<2x125xi32, #tpu.memory_space<vmem>>)
        tpu.yield
      }) : () -> ()
      %dma_start3A_136 = arith.constant 0 : i32
      %dma_start3A_137 = arith.constant 0 : i32
      %dma_start3A_138 = tpu.memref_slice %arg7[%dma_start3A_136, %dma_start3A_137] : memref<2x125xi32, #tpu.memory_space<vmem>> -> memref<1x125xi32, #tpu.memory_space<vmem>>
      %dma_start3A_139 = tpu.memref_squeeze %dma_start3A_138 : memref<1x125xi32, #tpu.memory_space<vmem>> -> memref<125xi32, #tpu.memory_space<vmem>>
      %dma_start3A_140 = arith.constant 0 : i32
      %dma_start3A_141 = arith.constant 0 : i32
      %dma_start3A_142 = tpu.memref_slice %arg2[%dma_start3A_140, %dma_start3A_141] : memref<10000x128xf32, #tpu.memory_space<hbm>> -> memref<10000x128xf32, #tpu.memory_space<hbm>>
      tpu.enqueue_indirect_dma source(%dma_start3A_142 : memref<10000x128xf32, #tpu.memory_space<hbm>>) target(%arg9 : memref<125x128xf32, #tpu.memory_space<vmem>>) offsets(%dma_start3A_139 : memref<125xi32, #tpu.memory_space<vmem>>) semaphore(%arg11 : memref<!tpu.dma_semaphore, #tpu.memory_space<semaphore_mem>>)
    }
    %scan3A_41 = arith.constant 39 : i32
    %dma_wait3A_42 = arith.constant 0 : i32
    %dma_wait3A_43 = arith.constant 0 : i32
    %dma_wait3A_44 = tpu.memref_slice %arg7[%dma_wait3A_42, %dma_wait3A_43] : memref<2x125xi32, #tpu.memory_space<vmem>> -> memref<1x125xi32, #tpu.memory_space<vmem>>
    %dma_wait3A_45 = tpu.memref_squeeze %dma_wait3A_44 : memref<1x125xi32, #tpu.memory_space<vmem>> -> memref<125xi32, #tpu.memory_space<vmem>>
    %dma_wait3A_46 = arith.constant 0 : i32
    %dma_wait3A_47 = arith.constant 0 : i32
    %dma_wait3A_48 = tpu.memref_slice %arg2[%dma_wait3A_46, %dma_wait3A_47] : memref<10000x128xf32, #tpu.memory_space<hbm>> -> memref<10000x128xf32, #tpu.memory_space<hbm>>
    tpu.wait_indirect_dma semaphore(%arg11 : memref<!tpu.dma_semaphore, #tpu.memory_space<semaphore_mem>>) src(%dma_wait3A_48 : memref<10000x128xf32, #tpu.memory_space<hbm>>) dst(%arg9 : memref<125x128xf32, #tpu.memory_space<vmem>>)
    %dma_start3A_49 = arith.constant 1 : i32
    %dma_start3A_50 = arith.constant 0 : i32
    %dma_start3A_51 = tpu.memref_slice %arg7[%dma_start3A_49, %dma_start3A_50] : memref<2x125xi32, #tpu.memory_space<vmem>> -> memref<1x125xi32, #tpu.memory_space<vmem>>
    %dma_start3A_52 = tpu.memref_squeeze %dma_start3A_51 : memref<1x125xi32, #tpu.memory_space<vmem>> -> memref<125xi32, #tpu.memory_space<vmem>>
    %dma_start3A_53 = arith.constant 0 : i32
    %dma_start3A_54 = arith.constant 0 : i32
    %dma_start3A_55 = tpu.memref_slice %arg14[%dma_start3A_53, %dma_start3A_54] : memref<10000x128xf32, #tpu.memory_space<vmem_shared>> -> memref<10000x128xf32, #tpu.memory_space<vmem_shared>>
    tpu.enqueue_indirect_dma source(%arg9 : memref<125x128xf32, #tpu.memory_space<vmem>>) target(%dma_start3A_55 : memref<10000x128xf32, #tpu.memory_space<vmem_shared>>) offsets(%dma_start3A_52 : memref<125xi32, #tpu.memory_space<vmem>>) semaphore(%arg13 : memref<!tpu.dma_semaphore, #tpu.memory_space<semaphore_mem>>) {add = true}
    %dma_wait3A_56 = arith.constant 1 : i32
    %dma_wait3A_57 = arith.constant 0 : i32
    %dma_wait3A_58 = tpu.memref_slice %arg6[%dma_wait3A_56, %dma_wait3A_57] : memref<2x125xi32, #tpu.memory_space<vmem>> -> memref<1x125xi32, #tpu.memory_space<vmem>>
    %dma_wait3A_59 = tpu.memref_squeeze %dma_wait3A_58 : memref<1x125xi32, #tpu.memory_space<vmem>> -> memref<125xi32, #tpu.memory_space<vmem>>
    %dma_wait3A_60 = arith.constant 0 : i32
    %dma_wait3A_61 = arith.constant 0 : i32
    %dma_wait3A_62 = tpu.memref_slice %arg14[%dma_wait3A_60, %dma_wait3A_61] : memref<10000x128xf32, #tpu.memory_space<vmem_shared>> -> memref<10000x128xf32, #tpu.memory_space<vmem_shared>>
    tpu.wait_indirect_dma semaphore(%arg12 : memref<!tpu.dma_semaphore, #tpu.memory_space<semaphore_mem>>) src(%arg8 : memref<125x128xf32, #tpu.memory_space<vmem>>) dst(%dma_wait3A_62 : memref<10000x128xf32, #tpu.memory_space<vmem_shared>>)
    %dma_wait3A_63 = arith.constant 1 : i32
    %dma_wait3A_64 = arith.constant 0 : i32
    %dma_wait3A_65 = tpu.memref_slice %arg7[%dma_wait3A_63, %dma_wait3A_64] : memref<2x125xi32, #tpu.memory_space<vmem>> -> memref<1x125xi32, #tpu.memory_space<vmem>>
    %dma_wait3A_66 = tpu.memref_squeeze %dma_wait3A_65 : memref<1x125xi32, #tpu.memory_space<vmem>> -> memref<125xi32, #tpu.memory_space<vmem>>
    %dma_wait3A_67 = arith.constant 0 : i32
    %dma_wait3A_68 = arith.constant 0 : i32
    %dma_wait3A_69 = tpu.memref_slice %arg14[%dma_wait3A_67, %dma_wait3A_68] : memref<10000x128xf32, #tpu.memory_space<vmem_shared>> -> memref<10000x128xf32, #tpu.memory_space<vmem_shared>>
    tpu.wait_indirect_dma semaphore(%arg13 : memref<!tpu.dma_semaphore, #tpu.memory_space<semaphore_mem>>) src(%arg9 : memref<125x128xf32, #tpu.memory_space<vmem>>) dst(%dma_wait3A_69 : memref<10000x128xf32, #tpu.memory_space<vmem_shared>>)
    %barrier3A_70 = arith.constant 0 : index
    tpu.barrier barrier_id(%barrier3A_70)
    "tpu.region"() ({
      %run_scoped3A = tpu.sem_alloc : memref<!tpu.dma_semaphore, #tpu.memory_space<semaphore_mem>>
      %dma_start3A_76 = arith.constant 0 : i32
      %dma_start3A_77 = tpu.memref_slice %arg5[%arg0, %mul3A_2, %dma_start3A_76] : memref<2x10000x128xf32, #tpu.memory_space<hbm>> -> memref<1x624x128xf32, #tpu.memory_space<hbm>>
      %dma_start3A_78 = tpu.memref_squeeze %dma_start3A_77 : memref<1x624x128xf32, #tpu.memory_space<hbm>> -> memref<624x128xf32, #tpu.memory_space<hbm>>
      %dma_start3A_79 = arith.constant 0 : i32
      %dma_start3A_80 = tpu.memref_slice %arg14[%mul3A_2, %dma_start3A_79] : memref<10000x128xf32, #tpu.memory_space<vmem_shared>> -> memref<624x128xf32, #tpu.memory_space<vmem_shared>>
      tpu.enqueue_dma source(%dma_start3A_80 : memref<624x128xf32, #tpu.memory_space<vmem_shared>>) target(%dma_start3A_78 : memref<624x128xf32, #tpu.memory_space<hbm>>) target_semaphore(%run_scoped3A : memref<!tpu.dma_semaphore, #tpu.memory_space<semaphore_mem>>)
      %dma_wait3A_81 = arith.constant 0 : i32
      %dma_wait3A_82 = tpu.memref_slice %arg5[%arg0, %mul3A_2, %dma_wait3A_81] : memref<2x10000x128xf32, #tpu.memory_space<hbm>> -> memref<1x624x128xf32, #tpu.memory_space<hbm>>
      %dma_wait3A_83 = tpu.memref_squeeze %dma_wait3A_82 : memref<1x624x128xf32, #tpu.memory_space<hbm>> -> memref<624x128xf32, #tpu.memory_space<hbm>>
      %dma_wait3A_84 = arith.constant 0 : i32
      %dma_wait3A_85 = tpu.memref_slice %arg14[%mul3A_2, %dma_wait3A_84] : memref<10000x128xf32, #tpu.memory_space<vmem_shared>> -> memref<624x128xf32, #tpu.memory_space<vmem_shared>>
      tpu.wait_dma2 semaphore(%run_scoped3A : memref<!tpu.dma_semaphore, #tpu.memory_space<semaphore_mem>>) src(%dma_wait3A_85 : memref<624x128xf32, #tpu.memory_space<vmem_shared>>) dst(%dma_wait3A_83 : memref<624x128xf32, #tpu.memory_space<hbm>>)
      tpu.yield
    }) : () -> ()
    %eq3A_71 = arith.constant 0 : i32
    %eq3A_72 = arith.cmpi eq, %arg1, %eq3A_71 : i32
    %convert_element_type3A_73 = arith.extui %eq3A_72 : i1 to i32
    %cond3A_74 = arith.constant 0 : i32
    %cond3A_75 = arith.cmpi ne, %convert_element_type3A_73, %cond3A_74 : i32
    scf.if %cond3A_75 {
      "tpu.region"() ({
        %run_scoped3A = tpu.sem_alloc : memref<!tpu.dma_semaphore, #tpu.memory_space<semaphore_mem>>
        %dma_start3A_76 = arith.constant 9984 : i32
        %dma_start3A_77 = arith.constant 0 : i32
        %dma_start3A_78 = tpu.memref_slice %arg5[%arg0, %dma_start3A_76, %dma_start3A_77] : memref<2x10000x128xf32, #tpu.memory_space<hbm>> -> memref<1x16x128xf32, #tpu.memory_space<hbm>>
        %dma_start3A_79 = tpu.memref_squeeze %dma_start3A_78 : memref<1x16x128xf32, #tpu.memory_space<hbm>> -> memref<16x128xf32, #tpu.memory_space<hbm>>
        %dma_start3A_80 = arith.constant 9984 : i32
        %dma_start3A_81 = arith.constant 0 : i32
        %dma_start3A_82 = tpu.memref_slice %arg14[%dma_start3A_80, %dma_start3A_81] : memref<10000x128xf32, #tpu.memory_space<vmem_shared>> -> memref<16x128xf32, #tpu.memory_space<vmem_shared>>
        tpu.enqueue_dma source(%dma_start3A_82 : memref<16x128xf32, #tpu.memory_space<vmem_shared>>) target(%dma_start3A_79 : memref<16x128xf32, #tpu.memory_space<hbm>>) target_semaphore(%run_scoped3A : memref<!tpu.dma_semaphore, #tpu.memory_space<semaphore_mem>>)
        %dma_wait3A_83 = arith.constant 9984 : i32
        %dma_wait3A_84 = arith.constant 0 : i32
        %dma_wait3A_85 = tpu.memref_slice %arg5[%arg0, %dma_wait3A_83, %dma_wait3A_84] : memref<2x10000x128xf32, #tpu.memory_space<hbm>> -> memref<1x16x128xf32, #tpu.memory_space<hbm>>
        %dma_wait3A_86 = tpu.memref_squeeze %dma_wait3A_85 : memref<1x16x128xf32, #tpu.memory_space<hbm>> -> memref<16x128xf32, #tpu.memory_space<hbm>>
        %dma_wait3A_87 = arith.constant 9984 : i32
        %dma_wait3A_88 = arith.constant 0 : i32
        %dma_wait3A_89 = tpu.memref_slice %arg14[%dma_wait3A_87, %dma_wait3A_88] : memref<10000x128xf32, #tpu.memory_space<vmem_shared>> -> memref<16x128xf32, #tpu.memory_space<vmem_shared>>
        tpu.wait_dma2 semaphore(%run_scoped3A : memref<!tpu.dma_semaphore, #tpu.memory_space<semaphore_mem>>) src(%dma_wait3A_89 : memref<16x128xf32, #tpu.memory_space<vmem_shared>>) dst(%dma_wait3A_86 : memref<16x128xf32, #tpu.memory_space<hbm>>)
        tpu.yield
      }) : () -> ()
    } else {
    }
    return
  }
}

module attributes {stable_mosaic.version = 14 : i64} {
  func.func @_x0_body(%arg0: i32, %arg1: memref<1000x128xf32, #tpu.memory_space<vmem>>, %arg2: memref<128x128xf32, #tpu.memory_space<vmem>>, %arg3: memref<1x128xf32, #tpu.memory_space<vmem>>, %arg4: memref<1000x128xf32, #tpu.memory_space<vmem>>) attributes {dimension_semantics = [#tpu.dimension_semantics<arbitrary>], iteration_bounds = array<i64: 10>, scalar_prefetch = 0 : i64, scratch_operands = 0 : i64, tpu.core_type = #tpu.core_type<tc>, window_params = [{transform_indices = @transform_0, window_bounds = array<i64: 1000, 128>}, {pipeline_mode = #tpu.pipeline_mode<synchronous>, transform_indices = @transform_1, window_bounds = array<i64: 128, 128>}, {pipeline_mode = #tpu.pipeline_mode<synchronous>, transform_indices = @transform_2, window_bounds = array<i64: 1, 128>}, {transform_indices = @transform_3, window_bounds = array<i64: 1000, 128>}]} {
    %get3A = arith.constant 0 : index
    %get3A_0 = arith.constant 0 : index
    %get3A_1 = vector.load %arg1[%get3A, %get3A_0] : memref<1000x128xf32, #tpu.memory_space<vmem>>, vector<1000x128xf32>
    %get3A_2 = arith.constant 0 : index
    %get3A_3 = arith.constant 0 : index
    %get3A_4 = vector.load %arg2[%get3A_2, %get3A_3] : memref<128x128xf32, #tpu.memory_space<vmem>>, vector<128x128xf32>
    %dot_general3A = arith.constant dense<0.000000e+00> : vector<1000x128xf32>
    %dot_general3A_5 = tpu.matmul %get3A_1, %get3A_4, %dot_general3A {dimension_numbers = #tpu.dot_dimension_numbers<[1], [0], [0], [1], [0, 0, 1, 1], [], []>, transpose_lhs_hint = false} : vector<1000x128xf32>, vector<128x128xf32>, vector<1000x128xf32> -> vector<1000x128xf32>
    %get3A_6 = arith.constant 0 : index
    %get3A_7 = arith.constant 0 : index
    %get3A_8 = vector.load %arg3[%get3A_6, %get3A_7] : memref<1x128xf32, #tpu.memory_space<vmem>>, vector<1x128xf32>
    %add3A = vector.broadcast %get3A_8 : vector<1x128xf32> to vector<1000x128xf32>
    %add3A_9 = arith.addf %dot_general3A_5, %add3A : vector<1000x128xf32>
    %max3A = arith.constant 0.000000e+00 : f32
    %max3A_10 = vector.broadcast %max3A : f32 to vector<1000x128xf32>
    %max3A_11 = arith.maximumf %add3A_9, %max3A_10 : vector<1000x128xf32>
    %swap3A = arith.constant 0 : index
    %swap3A_12 = arith.constant 0 : index
    %swap3A_13 = vector.load %arg4[%swap3A, %swap3A_12] : memref<1000x128xf32, #tpu.memory_space<vmem>>, vector<1000x128xf32>
    tpu.vector_store %arg4[%swap3A, %swap3A_12], %max3A_11 {strides = array<i32>} : memref<1000x128xf32, #tpu.memory_space<vmem>>, vector<1000x128xf32>,
    return
  }
  func.func @transform_0(%arg0: i32) -> (i32, i32) {
    %c0_i32 = arith.constant 0 : i32
    %c0_i32_0 = arith.constant 0 : i32
    return %arg0, %c0_i32 : i32, i32
  }
  func.func @transform_1(%arg0: i32) -> (i32, i32) {
    %c0_i32 = arith.constant 0 : i32
    %c0_i32_0 = arith.constant 0 : i32
    %c0_i32_1 = arith.constant 0 : i32
    return %c0_i32, %c0_i32_0 : i32, i32
  }
  func.func @transform_2(%arg0: i32) -> (i32, i32) {
    %c0_i32 = arith.constant 0 : i32
    %c0_i32_0 = arith.constant 0 : i32
    %c0_i32_1 = arith.constant 0 : i32
    return %c0_i32, %c0_i32_0 : i32, i32
  }
  func.func @transform_3(%arg0: i32) -> (i32, i32) {
    %c0_i32 = arith.constant 0 : i32
    %c0_i32_0 = arith.constant 0 : i32
    return %arg0, %c0_i32 : i32, i32
  }
}

module attributes {stable_mosaic.version = 14 : i64} {
  func.func @_layer_body(%arg0: i32, %arg1: memref<2x1000x128xf32, #tpu.memory_space<vmem>>, %arg2: memref<1000x128xf32, #tpu.memory_space<vmem>>, %arg3: memref<128x128xf32, #tpu.memory_space<vmem>>, %arg4: memref<1000x128xf32, #tpu.memory_space<vmem>>) attributes {dimension_semantics = [#tpu.dimension_semantics<arbitrary>], iteration_bounds = array<i64: 10>, scalar_prefetch = 0 : i64, scratch_operands = 0 : i64, tpu.core_type = #tpu.core_type<tc>, window_params = [{transform_indices = @transform_0, window_bounds = array<i64: 2, 1000, 128>}, {transform_indices = @transform_1, window_bounds = array<i64: 1000, 128>}, {pipeline_mode = #tpu.pipeline_mode<synchronous>, transform_indices = @transform_2, window_bounds = array<i64: 128, 128>}, {transform_indices = @transform_3, window_bounds = array<i64: 1000, 128>}]} {
    %get3A = arith.constant 0 : index
    %get3A_0 = arith.constant 0 : index
    %get3A_1 = arith.constant 0 : index
    %get3A_2 = vector.load %arg1[%get3A, %get3A_0, %get3A_1] : memref<2x1000x128xf32, #tpu.memory_space<vmem>>, vector<1x1000x128xf32>
    %get3A_3 = vector.shape_cast %get3A_2 : vector<1x1000x128xf32> to vector<1000x128xf32>
    %get3A_4 = arith.constant 1 : index
    %get3A_5 = arith.constant 0 : index
    %get3A_6 = arith.constant 0 : index
    %get3A_7 = vector.load %arg1[%get3A_4, %get3A_5, %get3A_6] : memref<2x1000x128xf32, #tpu.memory_space<vmem>>, vector<1x1000x128xf32>
    %get3A_8 = vector.shape_cast %get3A_7 : vector<1x1000x128xf32> to vector<1000x128xf32>
    %add3A = arith.addf %get3A_3, %get3A_8 : vector<1000x128xf32>
    %mul3A = arith.constant 0.899999976 : f32
    %mul3A_9 = vector.broadcast %mul3A : f32 to vector<1000x128xf32>
    %mul3A_10 = arith.mulf %mul3A_9, %add3A : vector<1000x128xf32>
    %get3A_11 = arith.constant 0 : index
    %get3A_12 = arith.constant 0 : index
    %get3A_13 = vector.load %arg2[%get3A_11, %get3A_12] : memref<1000x128xf32, #tpu.memory_space<vmem>>, vector<1000x128xf32>
    %mul3A_14 = arith.constant 1.000000e-01 : f32
    %mul3A_15 = vector.broadcast %mul3A_14 : f32 to vector<1000x128xf32>
    %mul3A_16 = arith.mulf %mul3A_15, %get3A_13 : vector<1000x128xf32>
    %add3A_17 = arith.addf %mul3A_10, %mul3A_16 : vector<1000x128xf32>
    %mul3A_18 = arith.constant 0.594534874 : f32
    %mul3A_19 = vector.broadcast %mul3A_18 : f32 to vector<1000x128xf32>
    %mul3A_20 = arith.mulf %mul3A_19, %add3A_17 : vector<1000x128xf32>
    %get3A_21 = arith.constant 0 : index
    %get3A_22 = arith.constant 0 : index
    %get3A_23 = vector.load %arg3[%get3A_21, %get3A_22] : memref<128x128xf32, #tpu.memory_space<vmem>>, vector<128x128xf32>
    %dot_general3A = arith.constant dense<0.000000e+00> : vector<1000x128xf32>
    %dot_general3A_24 = tpu.matmul %add3A_17, %get3A_23, %dot_general3A {dimension_numbers = #tpu.dot_dimension_numbers<[1], [0], [0], [1], [0, 0, 1, 1], [], []>, transpose_lhs_hint = false} : vector<1000x128xf32>, vector<128x128xf32>, vector<1000x128xf32> -> vector<1000x128xf32>
    %mul3A_25 = arith.constant 0.405465096 : f32
    %mul3A_26 = vector.broadcast %mul3A_25 : f32 to vector<1000x128xf32>
    %mul3A_27 = arith.mulf %mul3A_26, %dot_general3A_24 : vector<1000x128xf32>
    %add3A_28 = arith.addf %mul3A_20, %mul3A_27 : vector<1000x128xf32>
    %max3A = arith.constant 0.000000e+00 : f32
    %max3A_29 = vector.broadcast %max3A : f32 to vector<1000x128xf32>
    %max3A_30 = arith.maximumf %add3A_28, %max3A_29 : vector<1000x128xf32>
    %swap3A = arith.constant 0 : index
    %swap3A_31 = arith.constant 0 : index
    %swap3A_32 = vector.load %arg4[%swap3A, %swap3A_31] : memref<1000x128xf32, #tpu.memory_space<vmem>>, vector<1000x128xf32>
    tpu.vector_store %arg4[%swap3A, %swap3A_31], %max3A_30 {strides = array<i32>} : memref<1000x128xf32, #tpu.memory_space<vmem>>, vector<1000x128xf32>,
    return
  }
  func.func @transform_0(%arg0: i32) -> (i32, i32, i32) {
    %c0_i32 = arith.constant 0 : i32
    %c0_i32_0 = arith.constant 0 : i32
    %c0_i32_1 = arith.constant 0 : i32
    return %c0_i32, %arg0, %c0_i32_0 : i32, i32, i32
  }
  func.func @transform_1(%arg0: i32) -> (i32, i32) {
    %c0_i32 = arith.constant 0 : i32
    %c0_i32_0 = arith.constant 0 : i32
    return %arg0, %c0_i32 : i32, i32
  }
  func.func @transform_2(%arg0: i32) -> (i32, i32) {
    %c0_i32 = arith.constant 0 : i32
    %c0_i32_0 = arith.constant 0 : i32
    %c0_i32_1 = arith.constant 0 : i32
    return %c0_i32, %c0_i32_0 : i32, i32
  }
  func.func @transform_3(%arg0: i32) -> (i32, i32) {
    %c0_i32 = arith.constant 0 : i32
    %c0_i32_0 = arith.constant 0 : i32
    return %arg0, %c0_i32 : i32, i32
  }
}

module attributes {stable_mosaic.version = 14 : i64} {
  func.func @_final_body(%arg0: i32, %arg1: memref<2x1000x128xf32, #tpu.memory_space<vmem>>, %arg2: memref<1000x128xf32, #tpu.memory_space<vmem>>, %arg3: memref<128x128xf32, #tpu.memory_space<vmem>>, %arg4: memref<128x128xf32, #tpu.memory_space<vmem>>, %arg5: memref<1x128xf32, #tpu.memory_space<vmem>>, %arg6: memref<1000x128xf32, #tpu.memory_space<vmem>>) attributes {dimension_semantics = [#tpu.dimension_semantics<arbitrary>], iteration_bounds = array<i64: 10>, scalar_prefetch = 0 : i64, scratch_operands = 0 : i64, tpu.core_type = #tpu.core_type<tc>, window_params = [{transform_indices = @transform_0, window_bounds = array<i64: 2, 1000, 128>}, {transform_indices = @transform_1, window_bounds = array<i64: 1000, 128>}, {pipeline_mode = #tpu.pipeline_mode<synchronous>, transform_indices = @transform_2, window_bounds = array<i64: 128, 128>}, {pipeline_mode = #tpu.pipeline_mode<synchronous>, transform_indices = @transform_3, window_bounds = array<i64: 128, 128>}, {pipeline_mode = #tpu.pipeline_mode<synchronous>, transform_indices = @transform_4, window_bounds = array<i64: 1, 128>}, {transform_indices = @transform_5, window_bounds = array<i64: 1000, 128>}]} {
    %get3A = arith.constant 0 : index
    %get3A_0 = arith.constant 0 : index
    %get3A_1 = arith.constant 0 : index
    %get3A_2 = vector.load %arg1[%get3A, %get3A_0, %get3A_1] : memref<2x1000x128xf32, #tpu.memory_space<vmem>>, vector<1x1000x128xf32>
    %get3A_3 = vector.shape_cast %get3A_2 : vector<1x1000x128xf32> to vector<1000x128xf32>
    %get3A_4 = arith.constant 1 : index
    %get3A_5 = arith.constant 0 : index
    %get3A_6 = arith.constant 0 : index
    %get3A_7 = vector.load %arg1[%get3A_4, %get3A_5, %get3A_6] : memref<2x1000x128xf32, #tpu.memory_space<vmem>>, vector<1x1000x128xf32>
    %get3A_8 = vector.shape_cast %get3A_7 : vector<1x1000x128xf32> to vector<1000x128xf32>
    %add3A = arith.addf %get3A_3, %get3A_8 : vector<1000x128xf32>
    %mul3A = arith.constant 0.899999976 : f32
    %mul3A_9 = vector.broadcast %mul3A : f32 to vector<1000x128xf32>
    %mul3A_10 = arith.mulf %mul3A_9, %add3A : vector<1000x128xf32>
    %get3A_11 = arith.constant 0 : index
    %get3A_12 = arith.constant 0 : index
    %get3A_13 = vector.load %arg2[%get3A_11, %get3A_12] : memref<1000x128xf32, #tpu.memory_space<vmem>>, vector<1000x128xf32>
    %mul3A_14 = arith.constant 1.000000e-01 : f32
    %mul3A_15 = vector.broadcast %mul3A_14 : f32 to vector<1000x128xf32>
    %mul3A_16 = arith.mulf %mul3A_15, %get3A_13 : vector<1000x128xf32>
    %add3A_17 = arith.addf %mul3A_10, %mul3A_16 : vector<1000x128xf32>
    %mul3A_18 = arith.constant 0.776856422 : f32
    %mul3A_19 = vector.broadcast %mul3A_18 : f32 to vector<1000x128xf32>
    %mul3A_20 = arith.mulf %mul3A_19, %add3A_17 : vector<1000x128xf32>
    %get3A_21 = arith.constant 0 : index
    %get3A_22 = arith.constant 0 : index
    %get3A_23 = vector.load %arg3[%get3A_21, %get3A_22] : memref<128x128xf32, #tpu.memory_space<vmem>>, vector<128x128xf32>
    %dot_general3A = arith.constant dense<0.000000e+00> : vector<1000x128xf32>
    %dot_general3A_24 = tpu.matmul %add3A_17, %get3A_23, %dot_general3A {dimension_numbers = #tpu.dot_dimension_numbers<[1], [0], [0], [1], [0, 0, 1, 1], [], []>, transpose_lhs_hint = false} : vector<1000x128xf32>, vector<128x128xf32>, vector<1000x128xf32> -> vector<1000x128xf32>
    %mul3A_25 = arith.constant 0.223143548 : f32
    %mul3A_26 = vector.broadcast %mul3A_25 : f32 to vector<1000x128xf32>
    %mul3A_27 = arith.mulf %mul3A_26, %dot_general3A_24 : vector<1000x128xf32>
    %add3A_28 = arith.addf %mul3A_20, %mul3A_27 : vector<1000x128xf32>
    %max3A = arith.constant 0.000000e+00 : f32
    %max3A_29 = vector.broadcast %max3A : f32 to vector<1000x128xf32>
    %max3A_30 = arith.maximumf %add3A_28, %max3A_29 : vector<1000x128xf32>
    %get3A_31 = arith.constant 0 : index
    %get3A_32 = arith.constant 0 : index
    %get3A_33 = vector.load %arg4[%get3A_31, %get3A_32] : memref<128x128xf32, #tpu.memory_space<vmem>>, vector<128x128xf32>
    %dot_general3A_34 = arith.constant dense<0.000000e+00> : vector<1000x128xf32>
    %dot_general3A_35 = tpu.matmul %max3A_30, %get3A_33, %dot_general3A_34 {dimension_numbers = #tpu.dot_dimension_numbers<[1], [0], [0], [1], [0, 0, 1, 1], [], []>, transpose_lhs_hint = false} : vector<1000x128xf32>, vector<128x128xf32>, vector<1000x128xf32> -> vector<1000x128xf32>
    %get3A_36 = arith.constant 0 : index
    %get3A_37 = arith.constant 0 : index
    %get3A_38 = vector.load %arg5[%get3A_36, %get3A_37] : memref<1x128xf32, #tpu.memory_space<vmem>>, vector<1x128xf32>
    %add3A_39 = vector.broadcast %get3A_38 : vector<1x128xf32> to vector<1000x128xf32>
    %add3A_40 = arith.addf %dot_general3A_35, %add3A_39 : vector<1000x128xf32>
    %reduce_max3A = arith.constant dense<0xFF800000> : vector<1000xf32>
    %reduce_max3A_41 = vector.multi_reduction <maximumf>, %add3A_40, %reduce_max3A [1] : vector<1000x128xf32> to vector<1000xf32>
    %broadcast_in_dim3A = vector.shape_cast %reduce_max3A_41 : vector<1000xf32> to vector<1000x1xf32>
    %sub3A = vector.broadcast %broadcast_in_dim3A : vector<1000x1xf32> to vector<1000x128xf32>
    %sub3A_42 = arith.subf %add3A_40, %sub3A : vector<1000x128xf32>
    %exp3A = math.exp %sub3A_42 : vector<1000x128xf32>
    %reduce_sum3A = arith.constant dense<0.000000e+00> : vector<1000xf32>
    %reduce_sum3A_43 = vector.multi_reduction <add>, %exp3A, %reduce_sum3A [1] : vector<1000x128xf32> to vector<1000xf32>
    %broadcast_in_dim3A_44 = vector.shape_cast %reduce_sum3A_43 : vector<1000xf32> to vector<1000x1xf32>
    %log3A = math.log %broadcast_in_dim3A_44 : vector<1000x1xf32>
    %sub3A_45 = vector.broadcast %log3A : vector<1000x1xf32> to vector<1000x128xf32>
    %sub3A_46 = arith.subf %sub3A_42, %sub3A_45 : vector<1000x128xf32>
    %swap3A = arith.constant 0 : index
    %swap3A_47 = arith.constant 0 : index
    %swap3A_48 = vector.load %arg6[%swap3A, %swap3A_47] : memref<1000x128xf32, #tpu.memory_space<vmem>>, vector<1000x128xf32>
    tpu.vector_store %arg6[%swap3A, %swap3A_47], %sub3A_46 {strides = array<i32>} : memref<1000x128xf32, #tpu.memory_space<vmem>>, vector<1000x128xf32>,
    return
  }
  func.func @transform_0(%arg0: i32) -> (i32, i32, i32) {
    %c0_i32 = arith.constant 0 : i32
    %c0_i32_0 = arith.constant 0 : i32
    %c0_i32_1 = arith.constant 0 : i32
    return %c0_i32, %arg0, %c0_i32_0 : i32, i32, i32
  }
  func.func @transform_1(%arg0: i32) -> (i32, i32) {
    %c0_i32 = arith.constant 0 : i32
    %c0_i32_0 = arith.constant 0 : i32
    return %arg0, %c0_i32 : i32, i32
  }
  func.func @transform_2(%arg0: i32) -> (i32, i32) {
    %c0_i32 = arith.constant 0 : i32
    %c0_i32_0 = arith.constant 0 : i32
    %c0_i32_1 = arith.constant 0 : i32
    return %c0_i32, %c0_i32_0 : i32, i32
  }
  func.func @transform_3(%arg0: i32) -> (i32, i32) {
    %c0_i32 = arith.constant 0 : i32
    %c0_i32_0 = arith.constant 0 : i32
    %c0_i32_1 = arith.constant 0 : i32
    return %c0_i32, %c0_i32_0 : i32, i32
  }
  func.func @transform_4(%arg0: i32) -> (i32, i32) {
    %c0_i32 = arith.constant 0 : i32
    %c0_i32_0 = arith.constant 0 : i32
    %c0_i32_1 = arith.constant 0 : i32
    return %c0_i32, %c0_i32_0 : i32, i32
  }
  func.func @transform_5(%arg0: i32) -> (i32, i32) {
    %c0_i32 = arith.constant 0 : i32
    %c0_i32_0 = arith.constant 0 : i32
    return %arg0, %c0_i32 : i32, i32
  }
}

</mosaic_0001>

<sc_bundles>
// kernel: kernel.10.cloned.1.call-start
scs
__scs_entry_jumppad:
0x0: {  	(pc) =	sbr.rel $0x88, $3  }
0x1: {  	(tag) =	ssettag $0x0;
	lr =	simm.s32 $0x1  }
0x2: {  	[smem:$0x3F99] =	sst lr;
	_ =	strace $0xD0000000  }
0x3: {  	_ = 	snop  }
0x4: {  	_ = 	snop  }
0x5: {  	_ = 	snop  }
0x6: {  	_ = 	snop  }
0x7: {  	_ = 	snop  }
__scs_overlays_trampoline_lowered:
0x8: {  	[smem:$0x3FA8] =	sst s0  }
0x9: {  	[smem:$0x3FA9] =	sst s1  }
0xa: {  	[smem:$0x3FAA] =	sst s2  }
0xb: {  	[smem:$0x3FAB] =	sst s3  }
0xc: {  	[smem:$0x3FAC] =	sst s4  }
0xd: {  	[smem:$0x3FAD] =	sst s5  }
0xe: {  	[smem:$0x3FAE] =	sst s6  }
0xf: {  	[smem:$0x3FAF] =	sst s7  }
0x10: {  	[smem:$0x3FB0] =	sst s8  }
0x11: {  	[smem:$0x3FB1] =	sst s9;
	s0 =	simm.s32 @!p0 $0x0  }
0x12: {  	s1 =	sld [smem:$0x3F97];
	s0 =	simm.s32 @p0 $0x1  }
0x13: {  	[smem:$0x3FB2] =	sst s0;
	s0 =	simm.s32 @!p1 $0x0  }
0x14: {  	s2 =	sld [smem:$0x3F96];
	s0 =	simm.s32 @p1 $0x1  }
0x15: {  	[smem:$0x3FB3] =	sst s0;
	s0 =	simm.s32 @!p2 $0x0  }
0x16: {  	s3 =	sld [smem:$0x3FDB];
	s0 =	simm.s32 @p2 $0x1  }
0x17: {  	s4 =	simm.s32 $0x1BF5;
	[smem:$0x3FB5] =	sst s0  }
0x18: {  	s0 =	sld [smem:$0x3F98];
	_ =	swait.ge [sflag:s4], $0x0  }
0x19: {  	s7 =	sld [smem:$0x3F99]  }
0x1a: {  	s8 =	sadd.s32 $0xFFFFE003, lr  }
0x1b: {  	s9 =	sadd.s32 $0xFFFFFEF7, lr;
	s5 =	simm.s32 $0xFFFFFFFF;
	p2 =	slt.u32 s8, $0xFFFFF086  }
0x1c: {  	p1 =	slt.u32 s9, $0xF7A;
	s5 =	simm.s32 @!p2 $0x0  }
0x1d: {  	s5 =	simm.s32 @p1 $0x1;
	p0 =	seq.s32 s7, s2  }
0x1e: {  	s7 =	smul.u32 @!p0 $0xF7A, s2;
	p2 =	seq.s32 @!p0 s5, $0x0  }
0x1f: {  	s9 =	smul.u32 $0xF7A, s1;
	s8 =	simm.s32 @!p0 $0x1BF5;
	p2 =	por !p2, p0  }
0x20: {  	[sflag:s8] =	ssyncset.s32 @!p0 $0xFFFFF086;
	s6 =	sadd.s32 @!p0 s3, s7;
	s7 =	simm.s32 @!p0 $0x108  }
0x21: {  	s3 =	sadd.s32 s3, s9;
	s6 =	sadd.s32 @!p0 $0x88, s6;
	s7 =	simm.s32 @p2 $0x1082  }
0x22: {  	[simem:s7], [sflag:s8] =	dma.local @!p0 [hbm:s6], $0xF7A  }
0x23: {  	s9 =	sor.u32 $0xD0000000, s2;
	s6 =	simm.s32 $0x108;
	_ =	swait.ge @!p0 [sflag:s8], $0x0  }
0x24: {  	s3 =	sadd.s32 $0x88, s3;
	s6 =	simm.s32 @!p1 $0x1082;
	[sflag:s4] =	ssyncset.s32 $0xFFFFF086  }
0x25: {  	[simem:s6], [sflag:s4] =	dma.local [hbm:s3], $0xF7A  }
0x26: {  	[smem:$0x3F99] =	sst s1;
	(tag) =	ssettag s2;
	_ =	strace s9  }
0x27: {  	s1 =	sld [smem:$0x3FA9]  }
0x28: {  	s2 =	sld [smem:$0x3FAA]  }
0x29: {  	s4 =	sld [smem:$0x3FAC]  }
0x2a: {  	p0 =	seq.s32 s5, $0x0;
	s5 =	sld [smem:$0x3FAD]  }
0x2b: {  	s6 =	sld [smem:$0x3FAE]  }
0x2c: {  	s7 =	sld [smem:$0x3FAF]  }
0x2d: {  	s3 =	simm.s32 $0x108;
	s8 =	sld [smem:$0x3FB0]  }
0x2e: {  	s3 =	simm.s32 @!p0 $0x1082;
	s9 =	sld [smem:$0x3FB1]  }
0x2f: {  	lr =	sadd.s32 s0, s3;
	s0 =	sld [smem:$0x3FA8]  }
0x30: {  	s3 =	sld [smem:$0x3FAB]  }
0x31: {  	[smem:$0x3FB4] =	sst s10  }
0x32: {  	s10 =	sld [smem:$0x3FB2];
	_ =	sdelay $0x3  }
0x33: {  	p0 =	seq.s32 s10, $0x1;
	s10 =	sld [smem:$0x3FB4];
	_ =	sdelay $0x3  }
0x34: {  	[smem:$0x3FB4] =	sst s10  }
0x35: {  	s10 =	sld [smem:$0x3FB3];
	_ =	sdelay $0x3  }
0x36: {  	p1 =	seq.s32 s10, $0x1;
	s10 =	sld [smem:$0x3FB4];
	_ =	sdelay $0x3  }
0x37: {  	[smem:$0x3FB4] =	sst s10  }
0x38: {  	s10 =	sld [smem:$0x3FB5]  }
0x39: {  	_ = 	snop;
	(pc) =	sbr.ind lr, $3  }
0x3a: {  	_ = 	snop  }
0x3b: {  	_ = 	snop  }
0x3c: {  	p2 =	seq.s32 s10, $0x1;
	s10 =	sld [smem:$0x3FB4]  }
0x3d: {  	_ =	shalt  }
0x3e: {  	_ =	shalt  }
0x3f: {  	_ =	shalt  }
0x40: {  	_ =	shalt  }
0x41: {  	_ =	shalt  }
0x42: {  	_ =	shalt  }
0x43: {  	_ =	shalt  }
0x44: {  	_ =	shalt  }
0x45: {  	_ =	shalt  }
0x46: {  	_ =	shalt  }
0x47: {  	_ =	shalt  }
0x48: {  	_ =	shalt  }
0x49: {  	_ =	shalt  }
0x4a: {  	_ =	shalt  }
0x4b: {  	_ =	shalt  }
0x4c: {  	_ =	shalt  }
0x4d: {  	_ =	shalt  }
0x4e: {  	_ =	shalt  }
0x4f: {  	_ =	shalt  }
0x50: {  	_ =	shalt  }
0x51: {  	_ =	shalt  }
0x52: {  	_ =	shalt  }
0x53: {  	_ =	shalt  }
0x54: {  	_ =	shalt  }
0x55: {  	_ =	shalt  }
0x56: {  	_ =	shalt  }
0x57: {  	_ =	shalt  }
0x58: {  	_ =	shalt  }
0x59: {  	_ =	shalt  }
0x5a: {  	_ =	shalt  }
0x5b: {  	_ =	shalt  }
0x5c: {  	_ =	shalt  }
0x5d: {  	_ =	shalt  }
0x5e: {  	_ =	shalt  }
0x5f: {  	_ =	shalt  }
0x60: {  	_ =	shalt  }
0x61: {  	_ =	shalt  }
0x62: {  	_ =	shalt  }
0x63: {  	_ =	shalt  }
0x64: {  	_ =	shalt  }
0x65: {  	_ =	shalt  }
0x66: {  	_ =	shalt  }
0x67: {  	_ =	shalt  }
0x68: {  	_ =	shalt  }
0x69: {  	_ =	shalt  }
0x6a: {  	_ =	shalt  }
0x6b: {  	_ =	shalt  }
0x6c: {  	_ =	shalt  }
0x6d: {  	_ =	shalt  }
0x6e: {  	_ =	shalt  }
0x6f: {  	_ =	shalt  }
0x70: {  	_ =	shalt  }
0x71: {  	_ =	shalt  }
0x72: {  	_ =	shalt  }
0x73: {  	_ =	shalt  }
0x74: {  	_ =	shalt  }
0x75: {  	_ =	shalt  }
0x76: {  	_ =	shalt  }
0x77: {  	_ =	shalt  }
0x78: {  	_ =	shalt  }
0x79: {  	_ =	shalt  }
0x7a: {  	_ =	shalt  }
0x7b: {  	_ =	shalt  }
0x7c: {  	_ =	shalt  }
0x7d: {  	_ =	shalt  }
0x7e: {  	_ =	shalt  }
0x7f: {  	_ =	shalt  }
0x80: {  	_ =	shalt  }
0x81: {  	_ =	shalt  }
0x82: {  	_ =	shalt  }
0x83: {  	_ =	shalt  }
0x84: {  	_ =	shalt  }
0x85: {  	_ =	shalt  }
0x86: {  	_ =	shalt  }
0x87: {  	_ =	shalt  }
.Lfunc_end0:
.L_simem_size_0:
called_computation.1_lowered:
.L_overlay_start_0:
0x88: {  	s2 =	sld [smem:$0x3FD9]  }
0x89: {  	s3 =	sld [smem:$0x3FFE];
	_ =	sdelay $0x1  }
0x8a: {  	s1 =	srdreg.scid  }
0x8b: {  	s0 =	sand.u32 $0x1, s1  }
0x8c: {  	s17 =	sshll.u32 s0, $0xA;
	s2 =	sadd.s32 s3, s2  }
0x8d: {  	s2 =	sadd.s32 s2, s17  }
0x8e: {  	[smem:$0x3FC0] =	sst s2  }
0x8f: {  	_ = 	snop  }
0x90: {  	s2 =	sld [smem:$0x3FD0];
	(tm) =	ssettm $0x1  }
0x91: {  	s18 =	sld [smem:$0x3FFB];
	_ =	sdelay $0x3  }
0x92: {  	_ =	strace s18  }
0x93: {  	s3 =	sld [smem:$0x3FFC];
	_ =	sdelay $0x3  }
0x94: {  	_ =	strace s3  }
0x95: {  	s3 =	sld [smem:$0x3FFD];
	_ =	sdelay $0x3  }
0x96: {  	_ =	strace s3  }
0x97: {  	_ =	strace $0x8FFFFFFF  }
0x98: {  	s19 =	sld [smem:$0x3FDB];
	_ =	sdelay $0x1  }
0x99: {  	s4 =	simm.s32 $_scs_section_size  }
0x9a: {  	s5 =	simm.s32 $_size__tile_overlayer_lowered;
	s6 =	simm.s32 $_tile_overlayer_lowered  }
0x9b: {  	s22 =	simm.s32 $0x1BFF;
	s21 =	sshll.u32 s6, $0x1;
	s3 =	sadd.s32 s4, s19  }
0x9c: {  	s7 =	simm.s32 $0x0;
	s20 =	sshll.u32 s5, $0x1;
	s5 =	sadd.s32 s21, s3  }
0x9d: {  	[timem:s7], [sflag:s22] =	dma.local [hbm:s5], s20  }
0x9e: {  	_ =	swait.ge [sflag:s22], s20  }
0x9f: {  	s4 =	ssub.s32 $0x0, s20;
	[sflag:s22] =	ssyncset.done $0x0  }
0xa0: {  	[sflag:s22] =	ssyncadd.s32 s4;
	_ =	sdelay $0x1  }
0xa1: {  	s23 =	simm.s32 $0x1B8B  }
0xa2: {  	_ =	swait.ge [sflag:s23], $0x1  }
0xa3: {  	[sflag:s23] =	ssyncset.done $0x0  }
0xa4: {  	s25 =	simm.s32 $0x1B8E;
	s24 =	sld [smem:$0x3FFE];
	[sflag:s23] =	ssyncadd.s32 $0xFFFFFFFF  }
0xa5: {  	s26 =	simm.s32 $execute0_lowered;
	[smem:$0x3FD2] =	sst s25  }
0xa6: {  	s5 =	sshll.u32 s26, $0x1;
	_ =	strace $0x80000049;
	[dreg:$0x1] =	wrdreg $0xFFFFFFFF  }
0xa7: {  	s28 =	simm.s32 $_size_execute0_lowered;
	s3 =	sadd.s32 s3, s5;
	[dreg:$0x0] =	wrdreg $0x0  }
0xa8: {  	s5 =	sshll.u32 s28, $0x1;
	[dreg:$0x2] =	wrdreg s3  }
0xa9: {  	[dreg:$0x3] =	wrdreg s5  }
0xaa: {  	[dreg:$0x4] =	wrdreg $0xC0  }
0xab: {  	_ =	task [dreg:s7], $0x5FFFF  }
0xac: {  	[dreg:$0x1] =	wrdreg $0xFFFFFFFF  }
0xad: {  	[dreg:$0x0] =	wrdreg $0x60  }
0xae: {  	[dreg:$0x2] =	wrdreg s2  }
0xaf: {  	[dreg:$0x3] =	wrdreg s24  }
0xb0: {  	[dreg:$0x4] =	wrdreg $0x82000  }
0xb1: {  	[dreg:$0x5] =	wrdreg $0x9  }
0xb2: {  	_ =	task.clear_ibuf [dreg:s7], $0x6FFFF;
	_ =	strace $0x90000049  }
0xb3: {  	s29 =	simm.s32 $0x9;
	_ =	strace $0x8000004B  }
0xb4: {  	_ =	swait.ge [sflag:s29], $0x1  }
0xb5: {  	[sflag:s29] =	ssyncadd.s32 $0xFFFFFFFF  }
0xb6: {  	_ =	strace $0x9000004B  }
0xb7: {  	_ =	sfence  }
0xb8: {  	s30 =	sld [smem:$0x0];
	_ =	sdelay $0x2  }
0xb9: {  	s31 =	sshll.u32 s1, $0xD;
	s1 =	sshrl.u32 s1, $0x2  }
0xba: {  	s3 =	sand.u32 $0x4000, s31;
	s1 =	sadd.s32 s1, s30  }
0xbb: {  	s0 =	sor.u32 s3, s0;
	s1 =	sshll.u32 s1, $0x11  }
0xbc: {  	s0 =	sor.u32 s1, s0  }
0xbd: {  	s0 =	sadd.s32 $0x8F2B, s0  }
0xbe: {  	[sflag:s0] =	ssyncadd.remote.s32 $0x1  }
0xbf: {  	_ =	sfence.sel $0xFFFF  }
0xc0: {  	[dreg:$0x0] =	wrdreg $0xFFFFFFFF;
	(pc) =	sbr.abs _section_cstart, $3  }
0xc1: {  	[dreg:$0x1] =	wrdreg $0xFFFFFFFF  }
0xc2: {  	_ =	task.clear_ibuf [dreg:s7], $0x2FFFF;
	_ =	strace $0x9FFFFFFF  }
0xc3: {  	(tm) =	ssettm $0x7FFFFFFF  }
tec
execute0_lowered:
.L_overlay_start_1:
0x0: {  	(tag) =	ssettag $0x1  }
0x1: {  	s1 =	rddreg [dreg:$0x0]  }
0x2: {  	s8 =	rddreg [dreg:$0x1]  }
0x3: {  	s2 =	rddreg [dreg:$0x2];
	s3 =	simm.s32 $0x0;
	s19 =	stileid.u32  }
0x4: {  	s4 =	srdreg.scid;
	s16 =	simm.s32 $0x200;
	s17 =	simm.s32 $0x100  }
0x5: {  	s18 =	simm.s32 $0x4200;
	s21 =	simm.s32 $0x1;
	s22 =	simm.s32 $0x80  }
0x6: {  	s23 =	simm.s32 $0x2;
	s24 =	simm.s32 $0x180;
	s25 =	simm.s32 $0x3  }
0x7: {  	s26 =	simm.s32 $0x4;
	s28 =	simm.s32 $0x0;
	[smem:$0x7FF] =	sst s3  }
0x8: {  	s9 =	smul.u32 $0x13800, s19;
	s7 =	sand.u32 $0x1, s4;
	s29 =	sshll.u32 s19, $0x1  }
0x9: {  	s12 =	sadd.s32 $0x2400, s8;
	s10 =	sadd.s32 $0x3D600, s8;
	s13 =	smul.u32 $0x4E000, s19  }
0xa: {  	s15 =	smul.u32 $0xA0, s19;
	p0 =	sne.s32 s19, $0x0;
	s19 =	sshll.u32 s19, $0x6  }
0xb: {  	_ =	strace $0x8000004A;
	s4 =	sor.u32 s7, s29;
	s14 =	smul.u32 $0x138800, s7  }
0xc: {  	s30 =	ssub.s32 $0x2, s7;
	s31 =	smul.u32 $0x50, s7;
	s7 =	sadd.s32 $0x138000, s2  }
0xd: {  	s19 =	sor.u32 $0x1C05, s19;
	s5 =	sshrl.u32 s9, $0x3;
	s4 =	smul.u32 $0xA00, s4  }
0xe: {  	s11 =	sshrl.u32 s30, $0x1;
	s13 =	sshrl.u32 s13, $0x2;
	s6 =	sadd.s32 s5, s8  }
0xf: {  	s11 =	ssub.s32 s30, s11;
	s20 =	sadd.s32 s13, s2;
	s8 =	sadd.s32 $0x3D400, s8  }
0x10: {  	s9 =	sadd.s32 s9, s14;
	s14 =	sshrl.u32 s14, $0x3;
	s13 =	sadd.s32 s31, s15  }
0x11: {  	s15 =	simm.s32 $0x7D;
	s4 =	sadd.s32 s12, s4;
	s6 =	sadd.s32 $0x16400, s6  }
0x12: {  	s9 =	sshrl.u32 s9, $0x3;
	s13 =	sshll.u32 s13, $0x5;
	s11 =	smax.u32 s11, $0x1  }
0x13: {  	s20 =	sshrl.u32 s20, $0x3;
	s5 =	sadd.s32 $0x20, s4;
	s9 =	sadd.s32 s10, s9  }
0x14: {  	s10 =	sadd.s32 s10, s14;
	s13 =	sadd.s32 s13, s12;
	s14 =	simm.s32 $0x5  }
0x15: {  	s10 =	sadd.s32 $0x27000, s10;
	s12 =	sadd.s32 $0x60, s13;
	s13 =	sadd.s32 $0x40, s13  }
.LBB2_1:
0x16: {  	[tilespmem:s3], [sflag:$0x5] =	stream.linear.gather [hbm4b:s4+s3], $0x100, $0x38;
	[tilespmem:$0x1BA80] =	vst v63  }
0x17: {  	_ =	swait.ge [sflag:s14], $0x100  }
0x18: {  	[sflag:s14] =	ssyncset.done $0x0  }
0x19: {  	[sflag:s14] =	ssyncadd.s32 $0xFFFFFF00  }
0x1a: {  	[tilespmem:s16], [sflag:$0x1] =	stream.indirect.gather [hbm4b:s1+s15], $0x80, s3, s15, $0xb8;
	[tilespmem:$0x1BA80] =	vst v63  }
0x1b: {  	_ = 	snop  }
0x1c: {  	[tilespmem:s17], [sflag:$0x5] =	stream.linear.gather [hbm4b:s5+s3], $0x100, $0x38;
	[tilespmem:$0x1BA80] =	vst v63  }
0x1d: {  	_ =	swait.ge [sflag:s14], $0x100  }
0x1e: {  	[sflag:s14] =	ssyncset.done $0x0  }
0x1f: {  	[sflag:s14] =	ssyncadd.s32 $0xFFFFFF00  }
0x20: {  	[tilespmem:s18], [sflag:$0x2] =	stream.indirect.gather [hbm4b:s1+s15], $0x80, s17, s15, $0xb8;
	[tilespmem:$0x1BA80] =	vst v63  }
0x21: {  	[spmem:s20], [sflag:s19] =	dma.local [hbm:s6], $0x2700  }
0x22: {  	_ =	swait.ge [sflag:s14], $0x2700  }
0x23: {  	[sflag:s14] =	ssyncset.done $0x0  }
0x24: {  	s29 =	sshrl.u32 @!p0 s7, $0x3;
	s30 =	simm.s32 @!p0 $0x5;
	[sflag:s14] =	ssyncadd.s32 $0xFFFFD900  }
0x25: {  	[spmem:s29], [sflag:s19] =	dma.local @!p0 [hbm:s8], $0x100  }
0x26: {  	_ =	swait.ge @!p0 [sflag:s30], $0x100  }
0x27: {  	[sflag:s30] =	ssyncset.done @!p0 $0x0  }
0x28: {  	[sflag:s30] =	ssyncadd.s32 @!p0 $0xFFFFFF00  }
0x29: {  	[bflag:$0x0] =	sbarrier.arrive $0xFFFF  }
0x2a: {  	_ =	swait.ge [sflag:s21], $0x3E80  }
0x2b: {  	[sflag:s21] =	ssyncset.done $0x0  }
0x2c: {  	[sflag:s21] =	ssyncadd.s32 $0xFFFFC180  }
0x2d: {  	[spmem:s2] =	stream.indirect.scatter.add.f32 [tilespmem:s16], [sflag:$0x3], $0x80, s22, s15, $0xb8;
	[tilespmem:$0x1BA80] =	vst v63  }
0x2e: {  	_ =	swait.ge [sflag:s23], $0x3E80  }
0x2f: {  	[sflag:s23] =	ssyncset.done $0x0  }
0x30: {  	[sflag:s23] =	ssyncadd.s32 $0xFFFFC180  }
0x31: {  	[spmem:s2] =	stream.indirect.scatter.add.f32 [tilespmem:s18], [sflag:$0x4], $0x80, s24, s15, $0xb8;
	[tilespmem:$0x1BA80] =	vst v63  }
0x32: {  	_ =	swait.ge [sflag:s25], $0x3E80  }
0x33: {  	[sflag:s25] =	ssyncset.done $0x0  }
0x34: {  	s30 =	sadd.s32 $0x0, s13;
	[sflag:s25] =	ssyncadd.s32 $0xFFFFC180  }
0x35: {  	[tilespmem:s3], [sflag:$0x5] =	stream.linear.gather [hbm4b:s30+s3], $0x100, $0x38;
	[tilespmem:$0x1BA80] =	vst v63  }
0x36: {  	_ =	swait.ge [sflag:s14], $0x100  }
0x37: {  	[sflag:s14] =	ssyncset.done $0x0  }
0x38: {  	[sflag:s14] =	ssyncadd.s32 $0xFFFFFF00  }
0x39: {  	[tilespmem:s16], [sflag:$0x1] =	stream.indirect.gather [hbm4b:s1+s15], $0x80, s3, s15, $0xb8;
	[tilespmem:$0x1BA80] =	vst v63  }
0x3a: {  	_ =	swait.ge [sflag:s21], $0x3E80  }
0x3b: {  	[sflag:s21] =	ssyncset.done $0x0  }
0x3c: {  	[sflag:s21] =	ssyncadd.s32 $0xFFFFC180  }
0x3d: {  	[spmem:s2] =	stream.indirect.scatter.add.f32 [tilespmem:s16], [sflag:$0x3], $0x80, s22, s15, $0xb8;
	[tilespmem:$0x1BA80] =	vst v63  }
0x3e: {  	_ =	swait.ge [sflag:s26], $0x3E80  }
0x3f: {  	[sflag:s26] =	ssyncset.done $0x0  }
0x40: {  	s30 =	sadd.s32 $0x0, s12;
	[sflag:s26] =	ssyncadd.s32 $0xFFFFC180  }
0x41: {  	[tilespmem:s17], [sflag:$0x5] =	stream.linear.gather [hbm4b:s30+s3], $0x100, $0x38;
	[tilespmem:$0x1BA80] =	vst v63  }
0x42: {  	_ =	swait.ge [sflag:s14], $0x100  }
0x43: {  	[sflag:s14] =	ssyncset.done $0x0  }
0x44: {  	s30 =	simm.s32 $0x40;
	[sflag:s14] =	ssyncadd.s32 $0xFFFFFF00  }
.LBB2_2:
0x45: {  	[tilespmem:s18], [sflag:$0x2] =	stream.indirect.gather [hbm4b:s1+s15], $0x80, s17, s15, $0xb8;
	[tilespmem:$0x1BA80] =	vst v63  }
0x46: {  	s31 =	smov.u32 s30  }
0x47: {  	p1 =	sne.s32 s30, $0x980;
	s30 =	sadd.s32 $0x40, s30;
	_ =	swait.ge [sflag:s23], $0x3E80  }
0x48: {  	[sflag:s23] =	ssyncset.done $0x0  }
0x49: {  	[sflag:s23] =	ssyncadd.s32 $0xFFFFC180  }
0x4a: {  	[spmem:s2] =	stream.indirect.scatter.add.f32 [tilespmem:s18], [sflag:$0x4], $0x80, s24, s15, $0xb8;
	[tilespmem:$0x1BA80] =	vst v63  }
0x4b: {  	_ =	swait.ge [sflag:s25], $0x3E80  }
0x4c: {  	[sflag:s25] =	ssyncset.done $0x0  }
0x4d: {  	s0 =	sadd.s32 s31, s13;
	[sflag:s25] =	ssyncadd.s32 $0xFFFFC180  }
0x4e: {  	[tilespmem:s3], [sflag:$0x5] =	stream.linear.gather [hbm4b:s0+s3], $0x100, $0x38;
	[tilespmem:$0x1BA80] =	vst v63  }
0x4f: {  	_ =	swait.ge [sflag:s14], $0x100  }
0x50: {  	[sflag:s14] =	ssyncset.done $0x0  }
0x51: {  	[sflag:s14] =	ssyncadd.s32 $0xFFFFFF00  }
0x52: {  	[tilespmem:s16], [sflag:$0x1] =	stream.indirect.gather [hbm4b:s1+s15], $0x80, s3, s15, $0xb8;
	[tilespmem:$0x1BA80] =	vst v63  }
0x53: {  	_ =	swait.ge [sflag:s21], $0x3E80  }
0x54: {  	[sflag:s21] =	ssyncset.done $0x0  }
0x55: {  	[sflag:s21] =	ssyncadd.s32 $0xFFFFC180  }
0x56: {  	[spmem:s2] =	stream.indirect.scatter.add.f32 [tilespmem:s16], [sflag:$0x3], $0x80, s22, s15, $0xb8;
	[tilespmem:$0x1BA80] =	vst v63  }
0x57: {  	_ =	swait.ge [sflag:s26], $0x3E80  }
0x58: {  	[sflag:s26] =	ssyncset.done $0x0  }
.Ltmp0:
0x59: {  	s0 =	sadd.s32 s31, s12;
	[sflag:s26] =	ssyncadd.s32 $0xFFFFC180;
	(pc) =	sbr.rel @p1 .LBB2_2-.Ltmp0, $4  }
0x5a: {  	[tilespmem:s17], [sflag:$0x5] =	stream.linear.gather [hbm4b:s0+s3], $0x100, $0x38;
	[tilespmem:$0x1BA80] =	vst v63  }
0x5b: {  	_ =	swait.ge [sflag:s14], $0x100  }
0x5c: {  	[sflag:s14] =	ssyncset.done $0x0  }
0x5d: {  	[sflag:s14] =	ssyncadd.s32 $0xFFFFFF00  }
0x5e: {  	[tilespmem:s18], [sflag:$0x2] =	stream.indirect.gather [hbm4b:s1+s15], $0x80, s17, s15, $0xb8;
	[tilespmem:$0x1BA80] =	vst v63  }
0x5f: {  	_ =	swait.ge [sflag:s23], $0x3E80  }
0x60: {  	[sflag:s23] =	ssyncset.done $0x0  }
0x61: {  	[sflag:s23] =	ssyncadd.s32 $0xFFFFC180  }
0x62: {  	[spmem:s2] =	stream.indirect.scatter.add.f32 [tilespmem:s18], [sflag:$0x4], $0x80, s24, s15, $0xb8;
	[tilespmem:$0x1BA80] =	vst v63  }
0x63: {  	_ =	swait.ge [sflag:s25], $0x3E80  }
0x64: {  	[sflag:s25] =	ssyncset.done $0x0  }
0x65: {  	[sflag:s25] =	ssyncadd.s32 $0xFFFFC180  }
0x66: {  	_ =	swait.ge [sflag:s26], $0x3E80  }
0x67: {  	[sflag:s26] =	ssyncset.done $0x0  }
0x68: {  	[sflag:s26] =	ssyncadd.s32 $0xFFFFC180  }
0x69: {  	[bflag:$0x0] =	sbarrier.arrive $0xFFFF  }
0x6a: {  	[hbm:s9], [sflag:s19] =	dma.local [spmem:s20], $0x2700  }
0x6b: {  	s28 =	sadd.s32 $0x1, s28;
	_ =	swait.ge [sflag:s14], $0x2700  }
0x6c: {  	p1 =	sne.s32 s28, s11;
	[sflag:s14] =	ssyncset.done $0x0  }
.Ltmp1:
0x6d: {  	s0 =	simm.s32 @!p0 $0x5;
	[sflag:s14] =	ssyncadd.s32 $0xFFFFD900;
	(pc) =	sbr.rel @p1 .LBB2_1-.Ltmp1, $4  }
0x6e: {  	[hbm:s10], [sflag:s19] =	dma.local @!p0 [spmem:s29], $0x100  }
0x6f: {  	_ =	swait.ge @!p0 [sflag:s0], $0x100  }
0x70: {  	[sflag:s0] =	ssyncset.done @!p0 $0x0  }
0x71: {  	[sflag:s0] =	ssyncadd.s32 @!p0 $0xFFFFFF00  }
0x72: {  	_ =	sfence.sel $0x180000  }
0x73: {  	[bflag:$0x0] =	sbarrier.arrive $0xFFFF  }
0x74: {  	_ =	strace $0x9000004A  }
0x75: {  	[bflag:$0x2] =	sbarrier.arrive $0xFFFF  }
0x76: {  	s0 =	rddreg [dreg:$0x3]  }
0x77: {  	s0 =	sadd.s32 @!p0 $0x100000, s0  }
0x78: {  	[sflag:s0] =	ssyncadd.tile.s32 @!p0 $0x1;
	_ =	shalt  }
.Lfunc_end2:
_tile_overlayer_lowered:
.L_overlay_start_2:
0x79: {  	(tag) =	ssettag $0x2  }
0x7a: {  	s0 =	rddreg [dreg:$0x0];
	s2 =	stileid.u32  }
0x7b: {  	s1 =	rddreg [dreg:$0x1];
	p0 =	sne.s32 s2, $0x0  }
0x7c: {  	s3 =	rddreg [dreg:$0x2];
	[bflag:$0x3] =	sbarrier.arrive $0xFFFF;
	s2 =	simm.s32 @!p0 $0x1C05  }
0x7d: {  	[timem:s3], [sflag:s2] =	dma.local @!p0 [hbm:s0], s1  }
0x7e: {  	s0 =	simm.s32 @!p0 $0x5  }
0x7f: {  	_ =	swait.ge @!p0 [sflag:s0], s1  }
0x80: {  	s1 =	ssub.s32 @!p0 $0x0, s1;
	[sflag:s0] =	ssyncset.done @!p0 $0x0  }
0x81: {  	[sflag:s0] =	ssyncadd.s32 @!p0 s1  }
0x82: {  	[bflag:$0x3] =	sbarrier.arrive $0xFFFF  }
0x83: {  	_ =	shalt  }

// kernel: kernel.7.cloned.1.call-start
scs
__scs_entry_jumppad:
0x0: {  	(pc) =	sbr.rel $0x88, $3  }
0x1: {  	(tag) =	ssettag $0x0;
	lr =	simm.s32 $0x1  }
0x2: {  	[smem:$0x3F99] =	sst lr;
	_ =	strace $0xD0000000  }
0x3: {  	_ = 	snop  }
0x4: {  	_ = 	snop  }
0x5: {  	_ = 	snop  }
0x6: {  	_ = 	snop  }
0x7: {  	_ = 	snop  }
__scs_overlays_trampoline_lowered:
0x8: {  	[smem:$0x3FA8] =	sst s0  }
0x9: {  	[smem:$0x3FA9] =	sst s1  }
0xa: {  	[smem:$0x3FAA] =	sst s2  }
0xb: {  	[smem:$0x3FAB] =	sst s3  }
0xc: {  	[smem:$0x3FAC] =	sst s4  }
0xd: {  	[smem:$0x3FAD] =	sst s5  }
0xe: {  	[smem:$0x3FAE] =	sst s6  }
0xf: {  	[smem:$0x3FAF] =	sst s7  }
0x10: {  	[smem:$0x3FB0] =	sst s8  }
0x11: {  	[smem:$0x3FB1] =	sst s9;
	s0 =	simm.s32 @!p0 $0x0  }
0x12: {  	s1 =	sld [smem:$0x3F97];
	s0 =	simm.s32 @p0 $0x1  }
0x13: {  	[smem:$0x3FB2] =	sst s0;
	s0 =	simm.s32 @!p1 $0x0  }
0x14: {  	s2 =	sld [smem:$0x3F96];
	s0 =	simm.s32 @p1 $0x1  }
0x15: {  	[smem:$0x3FB3] =	sst s0;
	s0 =	simm.s32 @!p2 $0x0  }
0x16: {  	s3 =	sld [smem:$0x3FDB];
	s0 =	simm.s32 @p2 $0x1  }
0x17: {  	s4 =	simm.s32 $0x1BF5;
	[smem:$0x3FB5] =	sst s0  }
0x18: {  	s0 =	sld [smem:$0x3F98];
	_ =	swait.ge [sflag:s4], $0x0  }
0x19: {  	s7 =	sld [smem:$0x3F99]  }
0x1a: {  	s8 =	sadd.s32 $0xFFFFE003, lr  }
0x1b: {  	s9 =	sadd.s32 $0xFFFFFEF7, lr;
	s5 =	simm.s32 $0xFFFFFFFF;
	p2 =	slt.u32 s8, $0xFFFFF086  }
0x1c: {  	p1 =	slt.u32 s9, $0xF7A;
	s5 =	simm.s32 @!p2 $0x0  }
0x1d: {  	s5 =	simm.s32 @p1 $0x1;
	p0 =	seq.s32 s7, s2  }
0x1e: {  	s7 =	smul.u32 @!p0 $0xF7A, s2;
	p2 =	seq.s32 @!p0 s5, $0x0  }
0x1f: {  	s9 =	smul.u32 $0xF7A, s1;
	s8 =	simm.s32 @!p0 $0x1BF5;
	p2 =	por !p2, p0  }
0x20: {  	[sflag:s8] =	ssyncset.s32 @!p0 $0xFFFFF086;
	s6 =	sadd.s32 @!p0 s3, s7;
	s7 =	simm.s32 @!p0 $0x108  }
0x21: {  	s3 =	sadd.s32 s3, s9;
	s6 =	sadd.s32 @!p0 $0x88, s6;
	s7 =	simm.s32 @p2 $0x1082  }
0x22: {  	[simem:s7], [sflag:s8] =	dma.local @!p0 [hbm:s6], $0xF7A  }
0x23: {  	s9 =	sor.u32 $0xD0000000, s2;
	s6 =	simm.s32 $0x108;
	_ =	swait.ge @!p0 [sflag:s8], $0x0  }
0x24: {  	s3 =	sadd.s32 $0x88, s3;
	s6 =	simm.s32 @!p1 $0x1082;
	[sflag:s4] =	ssyncset.s32 $0xFFFFF086  }
0x25: {  	[simem:s6], [sflag:s4] =	dma.local [hbm:s3], $0xF7A  }
0x26: {  	[smem:$0x3F99] =	sst s1;
	(tag) =	ssettag s2;
	_ =	strace s9  }
0x27: {  	s1 =	sld [smem:$0x3FA9]  }
0x28: {  	s2 =	sld [smem:$0x3FAA]  }
0x29: {  	s4 =	sld [smem:$0x3FAC]  }
0x2a: {  	p0 =	seq.s32 s5, $0x0;
	s5 =	sld [smem:$0x3FAD]  }
0x2b: {  	s6 =	sld [smem:$0x3FAE]  }
0x2c: {  	s7 =	sld [smem:$0x3FAF]  }
0x2d: {  	s3 =	simm.s32 $0x108;
	s8 =	sld [smem:$0x3FB0]  }
0x2e: {  	s3 =	simm.s32 @!p0 $0x1082;
	s9 =	sld [smem:$0x3FB1]  }
0x2f: {  	lr =	sadd.s32 s0, s3;
	s0 =	sld [smem:$0x3FA8]  }
0x30: {  	s3 =	sld [smem:$0x3FAB]  }
0x31: {  	[smem:$0x3FB4] =	sst s10  }
0x32: {  	s10 =	sld [smem:$0x3FB2];
	_ =	sdelay $0x3  }
0x33: {  	p0 =	seq.s32 s10, $0x1;
	s10 =	sld [smem:$0x3FB4];
	_ =	sdelay $0x3  }
0x34: {  	[smem:$0x3FB4] =	sst s10  }
0x35: {  	s10 =	sld [smem:$0x3FB3];
	_ =	sdelay $0x3  }
0x36: {  	p1 =	seq.s32 s10, $0x1;
	s10 =	sld [smem:$0x3FB4];
	_ =	sdelay $0x3  }
0x37: {  	[smem:$0x3FB4] =	sst s10  }
0x38: {  	s10 =	sld [smem:$0x3FB5]  }
0x39: {  	_ = 	snop;
	(pc) =	sbr.ind lr, $3  }
0x3a: {  	_ = 	snop  }
0x3b: {  	_ = 	snop  }
0x3c: {  	p2 =	seq.s32 s10, $0x1;
	s10 =	sld [smem:$0x3FB4]  }
0x3d: {  	_ =	shalt  }
0x3e: {  	_ =	shalt  }
0x3f: {  	_ =	shalt  }
0x40: {  	_ =	shalt  }
0x41: {  	_ =	shalt  }
0x42: {  	_ =	shalt  }
0x43: {  	_ =	shalt  }
0x44: {  	_ =	shalt  }
0x45: {  	_ =	shalt  }
0x46: {  	_ =	shalt  }
0x47: {  	_ =	shalt  }
0x48: {  	_ =	shalt  }
0x49: {  	_ =	shalt  }
0x4a: {  	_ =	shalt  }
0x4b: {  	_ =	shalt  }
0x4c: {  	_ =	shalt  }
0x4d: {  	_ =	shalt  }
0x4e: {  	_ =	shalt  }
0x4f: {  	_ =	shalt  }
0x50: {  	_ =	shalt  }
0x51: {  	_ =	shalt  }
0x52: {  	_ =	shalt  }
0x53: {  	_ =	shalt  }
0x54: {  	_ =	shalt  }
0x55: {  	_ =	shalt  }
0x56: {  	_ =	shalt  }
0x57: {  	_ =	shalt  }
0x58: {  	_ =	shalt  }
0x59: {  	_ =	shalt  }
0x5a: {  	_ =	shalt  }
0x5b: {  	_ =	shalt  }
0x5c: {  	_ =	shalt  }
0x5d: {  	_ =	shalt  }
0x5e: {  	_ =	shalt  }
0x5f: {  	_ =	shalt  }
0x60: {  	_ =	shalt  }
0x61: {  	_ =	shalt  }
0x62: {  	_ =	shalt  }
0x63: {  	_ =	shalt  }
0x64: {  	_ =	shalt  }
0x65: {  	_ =	shalt  }
0x66: {  	_ =	shalt  }
0x67: {  	_ =	shalt  }
0x68: {  	_ =	shalt  }
0x69: {  	_ =	shalt  }
0x6a: {  	_ =	shalt  }
0x6b: {  	_ =	shalt  }
0x6c: {  	_ =	shalt  }
0x6d: {  	_ =	shalt  }
0x6e: {  	_ =	shalt  }
0x6f: {  	_ =	shalt  }
0x70: {  	_ =	shalt  }
0x71: {  	_ =	shalt  }
0x72: {  	_ =	shalt  }
0x73: {  	_ =	shalt  }
0x74: {  	_ =	shalt  }
0x75: {  	_ =	shalt  }
0x76: {  	_ =	shalt  }
0x77: {  	_ =	shalt  }
0x78: {  	_ =	shalt  }
0x79: {  	_ =	shalt  }
0x7a: {  	_ =	shalt  }
0x7b: {  	_ =	shalt  }
0x7c: {  	_ =	shalt  }
0x7d: {  	_ =	shalt  }
0x7e: {  	_ =	shalt  }
0x7f: {  	_ =	shalt  }
0x80: {  	_ =	shalt  }
0x81: {  	_ =	shalt  }
0x82: {  	_ =	shalt  }
0x83: {  	_ =	shalt  }
0x84: {  	_ =	shalt  }
0x85: {  	_ =	shalt  }
0x86: {  	_ =	shalt  }
0x87: {  	_ =	shalt  }
.Lfunc_end0:
.L_simem_size_0:
called_computation_lowered:
.L_overlay_start_0:
0x88: {  	s2 =	sld [smem:$0x3FD9]  }
0x89: {  	s3 =	sld [smem:$0x3FFE];
	_ =	sdelay $0x1  }
0x8a: {  	s1 =	srdreg.scid  }
0x8b: {  	s0 =	sand.u32 $0x1, s1  }
0x8c: {  	s17 =	sshll.u32 s0, $0xA;
	s2 =	sadd.s32 s3, s2  }
0x8d: {  	s2 =	sadd.s32 s2, s17  }
0x8e: {  	[smem:$0x3FC0] =	sst s2  }
0x8f: {  	_ = 	snop  }
0x90: {  	s2 =	sld [smem:$0x3FD0];
	(tm) =	ssettm $0x1  }
0x91: {  	s18 =	sld [smem:$0x3FFB];
	_ =	sdelay $0x3  }
0x92: {  	_ =	strace s18  }
0x93: {  	s3 =	sld [smem:$0x3FFC];
	_ =	sdelay $0x3  }
0x94: {  	_ =	strace s3  }
0x95: {  	s3 =	sld [smem:$0x3FFD];
	_ =	sdelay $0x3  }
0x96: {  	_ =	strace s3  }
0x97: {  	_ =	strace $0x8FFFFFFF  }
0x98: {  	s19 =	sld [smem:$0x3FDB];
	_ =	sdelay $0x1  }
0x99: {  	s4 =	simm.s32 $_scs_section_size  }
0x9a: {  	s5 =	simm.s32 $_size__tile_overlayer_lowered;
	s6 =	simm.s32 $_tile_overlayer_lowered  }
0x9b: {  	s22 =	simm.s32 $0x1BFF;
	s21 =	sshll.u32 s6, $0x1;
	s3 =	sadd.s32 s4, s19  }
0x9c: {  	s7 =	simm.s32 $0x0;
	s20 =	sshll.u32 s5, $0x1;
	s5 =	sadd.s32 s21, s3  }
0x9d: {  	[timem:s7], [sflag:s22] =	dma.local [hbm:s5], s20  }
0x9e: {  	_ =	swait.ge [sflag:s22], s20  }
0x9f: {  	s4 =	ssub.s32 $0x0, s20;
	[sflag:s22] =	ssyncset.done $0x0  }
0xa0: {  	[sflag:s22] =	ssyncadd.s32 s4;
	_ =	sdelay $0x1  }
0xa1: {  	s23 =	simm.s32 $0x1B8B  }
0xa2: {  	_ =	swait.ge [sflag:s23], $0x1  }
0xa3: {  	[sflag:s23] =	ssyncset.done $0x0  }
0xa4: {  	s25 =	simm.s32 $0x1B8E;
	s24 =	sld [smem:$0x3FFE];
	[sflag:s23] =	ssyncadd.s32 $0xFFFFFFFF  }
0xa5: {  	s26 =	simm.s32 $execute0_lowered;
	[smem:$0x3FD2] =	sst s25  }
0xa6: {  	s5 =	sshll.u32 s26, $0x1;
	_ =	strace $0x80000046;
	[dreg:$0x1] =	wrdreg $0xFFFFFFFF  }
0xa7: {  	s28 =	simm.s32 $_size_execute0_lowered;
	s3 =	sadd.s32 s3, s5;
	[dreg:$0x0] =	wrdreg $0x0  }
0xa8: {  	s5 =	sshll.u32 s28, $0x1;
	[dreg:$0x2] =	wrdreg s3  }
0xa9: {  	[dreg:$0x3] =	wrdreg s5  }
0xaa: {  	[dreg:$0x4] =	wrdreg $0xC0  }
0xab: {  	_ =	task [dreg:s7], $0x5FFFF  }
0xac: {  	[dreg:$0x1] =	wrdreg $0xFFFFFFFF  }
0xad: {  	[dreg:$0x0] =	wrdreg $0x60  }
0xae: {  	[dreg:$0x2] =	wrdreg s2  }
0xaf: {  	[dreg:$0x3] =	wrdreg s24  }
0xb0: {  	[dreg:$0x4] =	wrdreg $0x82000  }
0xb1: {  	[dreg:$0x5] =	wrdreg $0x9  }
0xb2: {  	_ =	task.clear_ibuf [dreg:s7], $0x6FFFF;
	_ =	strace $0x90000046  }
0xb3: {  	s29 =	simm.s32 $0x9;
	_ =	strace $0x80000048  }
0xb4: {  	_ =	swait.ge [sflag:s29], $0x1  }
0xb5: {  	[sflag:s29] =	ssyncadd.s32 $0xFFFFFFFF  }
0xb6: {  	_ =	strace $0x90000048  }
0xb7: {  	_ =	sfence  }
0xb8: {  	s30 =	sld [smem:$0x0];
	_ =	sdelay $0x2  }
0xb9: {  	s31 =	sshll.u32 s1, $0xD;
	s1 =	sshrl.u32 s1, $0x2  }
0xba: {  	s3 =	sand.u32 $0x4000, s31;
	s1 =	sadd.s32 s1, s30  }
0xbb: {  	s0 =	sor.u32 s3, s0;
	s1 =	sshll.u32 s1, $0x11  }
0xbc: {  	s0 =	sor.u32 s1, s0  }
0xbd: {  	s0 =	sadd.s32 $0x8F2B, s0  }
0xbe: {  	[sflag:s0] =	ssyncadd.remote.s32 $0x1  }
0xbf: {  	_ =	sfence.sel $0xFFFF  }
0xc0: {  	[dreg:$0x0] =	wrdreg $0xFFFFFFFF;
	(pc) =	sbr.abs _section_cstart, $3  }
0xc1: {  	[dreg:$0x1] =	wrdreg $0xFFFFFFFF  }
0xc2: {  	_ =	task.clear_ibuf [dreg:s7], $0x2FFFF;
	_ =	strace $0x9FFFFFFF  }
0xc3: {  	(tm) =	ssettm $0x7FFFFFFF  }
tec
execute0_lowered:
.L_overlay_start_1:
0x0: {  	(tag) =	ssettag $0x1  }
0x1: {  	s1 =	rddreg [dreg:$0x0]  }
0x2: {  	s8 =	rddreg [dreg:$0x1]  }
0x3: {  	s2 =	rddreg [dreg:$0x2];
	s3 =	simm.s32 $0x0;
	s19 =	stileid.u32  }
0x4: {  	s4 =	srdreg.scid;
	s16 =	simm.s32 $0x200;
	s17 =	simm.s32 $0x100  }
0x5: {  	s18 =	simm.s32 $0x4200;
	s21 =	simm.s32 $0x1;
	s22 =	simm.s32 $0x80  }
0x6: {  	s23 =	simm.s32 $0x2;
	s24 =	simm.s32 $0x180;
	s25 =	simm.s32 $0x3  }
0x7: {  	s26 =	simm.s32 $0x4;
	s28 =	simm.s32 $0x0;
	[smem:$0x7FF] =	sst s3  }
0x8: {  	s9 =	smul.u32 $0x13800, s19;
	s7 =	sand.u32 $0x1, s4;
	s29 =	sshll.u32 s19, $0x1  }
0x9: {  	s12 =	sadd.s32 $0x2400, s8;
	s10 =	sadd.s32 $0x3D600, s8;
	s13 =	smul.u32 $0x4E000, s19  }
0xa: {  	s15 =	smul.u32 $0xA0, s19;
	p0 =	sne.s32 s19, $0x0;
	s19 =	sshll.u32 s19, $0x6  }
0xb: {  	_ =	strace $0x80000047;
	s4 =	sor.u32 s7, s29;
	s14 =	smul.u32 $0x138800, s7  }
0xc: {  	s30 =	ssub.s32 $0x2, s7;
	s31 =	smul.u32 $0x50, s7;
	s7 =	sadd.s32 $0x138000, s2  }
0xd: {  	s19 =	sor.u32 $0x1C05, s19;
	s5 =	sshrl.u32 s9, $0x3;
	s4 =	smul.u32 $0xA00, s4  }
0xe: {  	s11 =	sshrl.u32 s30, $0x1;
	s13 =	sshrl.u32 s13, $0x2;
	s6 =	sadd.s32 s5, s8  }
0xf: {  	s11 =	ssub.s32 s30, s11;
	s20 =	sadd.s32 s13, s2;
	s8 =	sadd.s32 $0x3D400, s8  }
0x10: {  	s9 =	sadd.s32 s9, s14;
	s14 =	sshrl.u32 s14, $0x3;
	s13 =	sadd.s32 s31, s15  }
0x11: {  	s15 =	simm.s32 $0x7D;
	s4 =	sadd.s32 s12, s4;
	s6 =	sadd.s32 $0x16400, s6  }
0x12: {  	s9 =	sshrl.u32 s9, $0x3;
	s13 =	sshll.u32 s13, $0x5;
	s11 =	smax.u32 s11, $0x1  }
0x13: {  	s20 =	sshrl.u32 s20, $0x3;
	s5 =	sadd.s32 $0x20, s4;
	s9 =	sadd.s32 s10, s9  }
0x14: {  	s10 =	sadd.s32 s10, s14;
	s13 =	sadd.s32 s13, s12;
	s14 =	simm.s32 $0x5  }
0x15: {  	s10 =	sadd.s32 $0x27000, s10;
	s12 =	sadd.s32 $0x60, s13;
	s13 =	sadd.s32 $0x40, s13  }
.LBB2_1:
0x16: {  	[tilespmem:s3], [sflag:$0x5] =	stream.linear.gather [hbm4b:s4+s3], $0x100, $0x38;
	[tilespmem:$0x1BA80] =	vst v63  }
0x17: {  	_ =	swait.ge [sflag:s14], $0x100  }
0x18: {  	[sflag:s14] =	ssyncset.done $0x0  }
0x19: {  	[sflag:s14] =	ssyncadd.s32 $0xFFFFFF00  }
0x1a: {  	[tilespmem:s16], [sflag:$0x1] =	stream.indirect.gather [hbm4b:s1+s15], $0x80, s3, s15, $0xb8;
	[tilespmem:$0x1BA80] =	vst v63  }
0x1b: {  	_ = 	snop  }
0x1c: {  	[tilespmem:s17], [sflag:$0x5] =	stream.linear.gather [hbm4b:s5+s3], $0x100, $0x38;
	[tilespmem:$0x1BA80] =	vst v63  }
0x1d: {  	_ =	swait.ge [sflag:s14], $0x100  }
0x1e: {  	[sflag:s14] =	ssyncset.done $0x0  }
0x1f: {  	[sflag:s14] =	ssyncadd.s32 $0xFFFFFF00  }
0x20: {  	[tilespmem:s18], [sflag:$0x2] =	stream.indirect.gather [hbm4b:s1+s15], $0x80, s17, s15, $0xb8;
	[tilespmem:$0x1BA80] =	vst v63  }
0x21: {  	[spmem:s20], [sflag:s19] =	dma.local [hbm:s6], $0x2700  }
0x22: {  	_ =	swait.ge [sflag:s14], $0x2700  }
0x23: {  	[sflag:s14] =	ssyncset.done $0x0  }
0x24: {  	s29 =	sshrl.u32 @!p0 s7, $0x3;
	s30 =	simm.s32 @!p0 $0x5;
	[sflag:s14] =	ssyncadd.s32 $0xFFFFD900  }
0x25: {  	[spmem:s29], [sflag:s19] =	dma.local @!p0 [hbm:s8], $0x100  }
0x26: {  	_ =	swait.ge @!p0 [sflag:s30], $0x100  }
0x27: {  	[sflag:s30] =	ssyncset.done @!p0 $0x0  }
0x28: {  	[sflag:s30] =	ssyncadd.s32 @!p0 $0xFFFFFF00  }
0x29: {  	[bflag:$0x0] =	sbarrier.arrive $0xFFFF  }
0x2a: {  	_ =	swait.ge [sflag:s21], $0x3E80  }
0x2b: {  	[sflag:s21] =	ssyncset.done $0x0  }
0x2c: {  	[sflag:s21] =	ssyncadd.s32 $0xFFFFC180  }
0x2d: {  	[spmem:s2] =	stream.indirect.scatter.add.f32 [tilespmem:s16], [sflag:$0x3], $0x80, s22, s15, $0xb8;
	[tilespmem:$0x1BA80] =	vst v63  }
0x2e: {  	_ =	swait.ge [sflag:s23], $0x3E80  }
0x2f: {  	[sflag:s23] =	ssyncset.done $0x0  }
0x30: {  	[sflag:s23] =	ssyncadd.s32 $0xFFFFC180  }
0x31: {  	[spmem:s2] =	stream.indirect.scatter.add.f32 [tilespmem:s18], [sflag:$0x4], $0x80, s24, s15, $0xb8;
	[tilespmem:$0x1BA80] =	vst v63  }
0x32: {  	_ =	swait.ge [sflag:s25], $0x3E80  }
0x33: {  	[sflag:s25] =	ssyncset.done $0x0  }
0x34: {  	s30 =	sadd.s32 $0x0, s13;
	[sflag:s25] =	ssyncadd.s32 $0xFFFFC180  }
0x35: {  	[tilespmem:s3], [sflag:$0x5] =	stream.linear.gather [hbm4b:s30+s3], $0x100, $0x38;
	[tilespmem:$0x1BA80] =	vst v63  }
0x36: {  	_ =	swait.ge [sflag:s14], $0x100  }
0x37: {  	[sflag:s14] =	ssyncset.done $0x0  }
0x38: {  	[sflag:s14] =	ssyncadd.s32 $0xFFFFFF00  }
0x39: {  	[tilespmem:s16], [sflag:$0x1] =	stream.indirect.gather [hbm4b:s1+s15], $0x80, s3, s15, $0xb8;
	[tilespmem:$0x1BA80] =	vst v63  }
0x3a: {  	_ =	swait.ge [sflag:s21], $0x3E80  }
0x3b: {  	[sflag:s21] =	ssyncset.done $0x0  }
0x3c: {  	[sflag:s21] =	ssyncadd.s32 $0xFFFFC180  }
0x3d: {  	[spmem:s2] =	stream.indirect.scatter.add.f32 [tilespmem:s16], [sflag:$0x3], $0x80, s22, s15, $0xb8;
	[tilespmem:$0x1BA80] =	vst v63  }
0x3e: {  	_ =	swait.ge [sflag:s26], $0x3E80  }
0x3f: {  	[sflag:s26] =	ssyncset.done $0x0  }
0x40: {  	s30 =	sadd.s32 $0x0, s12;
	[sflag:s26] =	ssyncadd.s32 $0xFFFFC180  }
0x41: {  	[tilespmem:s17], [sflag:$0x5] =	stream.linear.gather [hbm4b:s30+s3], $0x100, $0x38;
	[tilespmem:$0x1BA80] =	vst v63  }
0x42: {  	_ =	swait.ge [sflag:s14], $0x100  }
0x43: {  	[sflag:s14] =	ssyncset.done $0x0  }
0x44: {  	s30 =	simm.s32 $0x40;
	[sflag:s14] =	ssyncadd.s32 $0xFFFFFF00  }
.LBB2_2:
0x45: {  	[tilespmem:s18], [sflag:$0x2] =	stream.indirect.gather [hbm4b:s1+s15], $0x80, s17, s15, $0xb8;
	[tilespmem:$0x1BA80] =	vst v63  }
0x46: {  	s31 =	smov.u32 s30  }
0x47: {  	p1 =	sne.s32 s30, $0x980;
	s30 =	sadd.s32 $0x40, s30;
	_ =	swait.ge [sflag:s23], $0x3E80  }
0x48: {  	[sflag:s23] =	ssyncset.done $0x0  }
0x49: {  	[sflag:s23] =	ssyncadd.s32 $0xFFFFC180  }
0x4a: {  	[spmem:s2] =	stream.indirect.scatter.add.f32 [tilespmem:s18], [sflag:$0x4], $0x80, s24, s15, $0xb8;
	[tilespmem:$0x1BA80] =	vst v63  }
0x4b: {  	_ =	swait.ge [sflag:s25], $0x3E80  }
0x4c: {  	[sflag:s25] =	ssyncset.done $0x0  }
0x4d: {  	s0 =	sadd.s32 s31, s13;
	[sflag:s25] =	ssyncadd.s32 $0xFFFFC180  }
0x4e: {  	[tilespmem:s3], [sflag:$0x5] =	stream.linear.gather [hbm4b:s0+s3], $0x100, $0x38;
	[tilespmem:$0x1BA80] =	vst v63  }
0x4f: {  	_ =	swait.ge [sflag:s14], $0x100  }
0x50: {  	[sflag:s14] =	ssyncset.done $0x0  }
0x51: {  	[sflag:s14] =	ssyncadd.s32 $0xFFFFFF00  }
0x52: {  	[tilespmem:s16], [sflag:$0x1] =	stream.indirect.gather [hbm4b:s1+s15], $0x80, s3, s15, $0xb8;
	[tilespmem:$0x1BA80] =	vst v63  }
0x53: {  	_ =	swait.ge [sflag:s21], $0x3E80  }
0x54: {  	[sflag:s21] =	ssyncset.done $0x0  }
0x55: {  	[sflag:s21] =	ssyncadd.s32 $0xFFFFC180  }
0x56: {  	[spmem:s2] =	stream.indirect.scatter.add.f32 [tilespmem:s16], [sflag:$0x3], $0x80, s22, s15, $0xb8;
	[tilespmem:$0x1BA80] =	vst v63  }
0x57: {  	_ =	swait.ge [sflag:s26], $0x3E80  }
0x58: {  	[sflag:s26] =	ssyncset.done $0x0  }
.Ltmp0:
0x59: {  	s0 =	sadd.s32 s31, s12;
	[sflag:s26] =	ssyncadd.s32 $0xFFFFC180;
	(pc) =	sbr.rel @p1 .LBB2_2-.Ltmp0, $4  }
0x5a: {  	[tilespmem:s17], [sflag:$0x5] =	stream.linear.gather [hbm4b:s0+s3], $0x100, $0x38;
	[tilespmem:$0x1BA80] =	vst v63  }
0x5b: {  	_ =	swait.ge [sflag:s14], $0x100  }
0x5c: {  	[sflag:s14] =	ssyncset.done $0x0  }
0x5d: {  	[sflag:s14] =	ssyncadd.s32 $0xFFFFFF00  }
0x5e: {  	[tilespmem:s18], [sflag:$0x2] =	stream.indirect.gather [hbm4b:s1+s15], $0x80, s17, s15, $0xb8;
	[tilespmem:$0x1BA80] =	vst v63  }
0x5f: {  	_ =	swait.ge [sflag:s23], $0x3E80  }
0x60: {  	[sflag:s23] =	ssyncset.done $0x0  }
0x61: {  	[sflag:s23] =	ssyncadd.s32 $0xFFFFC180  }
0x62: {  	[spmem:s2] =	stream.indirect.scatter.add.f32 [tilespmem:s18], [sflag:$0x4], $0x80, s24, s15, $0xb8;
	[tilespmem:$0x1BA80] =	vst v63  }
0x63: {  	_ =	swait.ge [sflag:s25], $0x3E80  }
0x64: {  	[sflag:s25] =	ssyncset.done $0x0  }
0x65: {  	[sflag:s25] =	ssyncadd.s32 $0xFFFFC180  }
0x66: {  	_ =	swait.ge [sflag:s26], $0x3E80  }
0x67: {  	[sflag:s26] =	ssyncset.done $0x0  }
0x68: {  	[sflag:s26] =	ssyncadd.s32 $0xFFFFC180  }
0x69: {  	[bflag:$0x0] =	sbarrier.arrive $0xFFFF  }
0x6a: {  	[hbm:s9], [sflag:s19] =	dma.local [spmem:s20], $0x2700  }
0x6b: {  	s28 =	sadd.s32 $0x1, s28;
	_ =	swait.ge [sflag:s14], $0x2700  }
0x6c: {  	p1 =	sne.s32 s28, s11;
	[sflag:s14] =	ssyncset.done $0x0  }
.Ltmp1:
0x6d: {  	s0 =	simm.s32 @!p0 $0x5;
	[sflag:s14] =	ssyncadd.s32 $0xFFFFD900;
	(pc) =	sbr.rel @p1 .LBB2_1-.Ltmp1, $4  }
0x6e: {  	[hbm:s10], [sflag:s19] =	dma.local @!p0 [spmem:s29], $0x100  }
0x6f: {  	_ =	swait.ge @!p0 [sflag:s0], $0x100  }
0x70: {  	[sflag:s0] =	ssyncset.done @!p0 $0x0  }
0x71: {  	[sflag:s0] =	ssyncadd.s32 @!p0 $0xFFFFFF00  }
0x72: {  	_ =	sfence.sel $0x180000  }
0x73: {  	[bflag:$0x0] =	sbarrier.arrive $0xFFFF  }
0x74: {  	_ =	strace $0x90000047  }
0x75: {  	[bflag:$0x2] =	sbarrier.arrive $0xFFFF  }
0x76: {  	s0 =	rddreg [dreg:$0x3]  }
0x77: {  	s0 =	sadd.s32 @!p0 $0x100000, s0  }
0x78: {  	[sflag:s0] =	ssyncadd.tile.s32 @!p0 $0x1;
	_ =	shalt  }
.Lfunc_end2:
_tile_overlayer_lowered:
.L_overlay_start_2:
0x79: {  	(tag) =	ssettag $0x2  }
0x7a: {  	s0 =	rddreg [dreg:$0x0];
	s2 =	stileid.u32  }
0x7b: {  	s1 =	rddreg [dreg:$0x1];
	p0 =	sne.s32 s2, $0x0  }
0x7c: {  	s3 =	rddreg [dreg:$0x2];
	[bflag:$0x3] =	sbarrier.arrive $0xFFFF;
	s2 =	simm.s32 @!p0 $0x1C05  }
0x7d: {  	[timem:s3], [sflag:s2] =	dma.local @!p0 [hbm:s0], s1  }
0x7e: {  	s0 =	simm.s32 @!p0 $0x5  }
0x7f: {  	_ =	swait.ge @!p0 [sflag:s0], s1  }
0x80: {  	s1 =	ssub.s32 @!p0 $0x0, s1;
	[sflag:s0] =	ssyncset.done @!p0 $0x0  }
0x81: {  	[sflag:s0] =	ssyncadd.s32 @!p0 s1  }
0x82: {  	[bflag:$0x3] =	sbarrier.arrive $0xFFFF  }
0x83: {  	_ =	shalt  }

</sc_bundles>
